<compile_context>
chip_gen: v7x
topology: tpu7x:2x2x1
jax: 0.10.2.dev20260603
libtpu: 0.0.44.dev20260713+nightly
codegen_flags: <defaults>
</compile_context>

<pallas_src>
import functools

import jax
import jax.numpy as jnp
from jax import lax
from jax.experimental import pallas as pl
from jax.experimental.pallas import tpu as pltpu
from jax.experimental.pallas import tpu_sc as plsc

NC = 2
NS = 16
NW = NC * NS
CHUNK = 128
F = 16
TW = (F + 1) * F


def _pre_body(f_ref, w2_ref, b_ref, o_ref):
    f = f_ref[...]
    t1 = jnp.dot(f, w2_ref[...], preferred_element_type=jnp.float32)
    t2 = jnp.dot(f, b_ref[...], preferred_element_type=jnp.float32)
    o_ref[...] = jnp.concatenate([t1, t2], axis=1)


def _tc_pre(feat, W2, B, n_nodes, blk):
    grid = n_nodes // blk
    return pl.pallas_call(
        _pre_body,
        grid=(grid,),
        in_specs=[
            pl.BlockSpec((blk, F), lambda i: (i, 0)),
            pl.BlockSpec((F, F * F), lambda i: (0, 0)),
            pl.BlockSpec((F, F), lambda i: (0, 0)),
        ],
        out_specs=pl.BlockSpec((blk, TW), lambda i: (i, 0)),
        out_shape=jax.ShapeDtypeStruct((n_nodes, TW), jnp.float32),
    )(feat, W2, B)


def _repack_body(nchunk, rows, e_ref, o_ref):
    e = e_ref[...]
    x = e.reshape(2, nchunk, CHUNK)
    pad = rows - nchunk
    o_ref[...] = jnp.concatenate(
        [x, jnp.zeros((2, pad, CHUNK), jnp.int32)], axis=1)


def _tc_repack(ei, nchunk):
    rows = -(-nchunk // 8) * 8
    n_edges = ei.shape[1]
    return pl.pallas_call(
        functools.partial(_repack_body, nchunk, rows),
        out_shape=jax.ShapeDtypeStruct((2, rows, CHUNK), jnp.int32),
    )(ei)


def _compute_chunk(tbuf, efv, msgv):
    @pl.loop(0, CHUNK)
    def _(e):
        ef_row = efv[e, :]
        acc = [tbuf[e, pl.ds(F * F, F)], None, None, None]
        for d in range(F):
            t = ef_row[d] * tbuf[e, pl.ds(d * F, F)]
            k = d % 4
            acc[k] = t if acc[k] is None else acc[k] + t
        msgv[e, :] = (acc[0] + acc[1]) + (acc[2] + acc[3])


def _edge_chunks(base, nj, sidx, didx, taug_hbm, ef_hbm, acc_sh, deg_sh,
                 tbufs, efvs, msgs, onesv, gsems, esems, ssems, dsem):
    def fire(jj, b):
        pltpu.async_copy(ef_hbm.at[pl.ds(base + jj * CHUNK, CHUNK)],
                         efvs[b], esems[b])
        pltpu.async_copy(taug_hbm.at[sidx.at[jj]], tbufs[b], gsems[b])

    fire(0, 0)
    if nj > 1:
        fire(1, 1)

    @pl.loop(0, nj, step=2)
    def _(j):
        for b in range(2):
            jj = j + b

            @pl.when(jj < nj)
            def _():
                pltpu.make_async_copy(
                    ef_hbm.at[pl.ds(base + jj * CHUNK, CHUNK)],
                    efvs[b], esems[b]).wait()
                pltpu.make_async_copy(
                    taug_hbm.at[sidx.at[jj]], tbufs[b], gsems[b]).wait()

                @pl.when(jj >= 2)
                def _():
                    pltpu.make_async_copy(
                        msgs[b], acc_sh.at[didx.at[jj]], ssems[b]).wait()

                _compute_chunk(tbufs[b], efvs[b], msgs[b])

                @pl.when(jj + 2 < nj)
                def _():
                    fire(jj + 2, b)

                pltpu.async_copy(msgs[b], acc_sh.at[didx.at[jj]], ssems[b],
                                 add=True)
                pltpu.async_copy(onesv, deg_sh.at[didx.at[jj]], dsem,
                                 add=True)

    for k in range(min(2, nj)):
        b = (nj - 1 - k) % 2
        pltpu.make_async_copy(msgs[b], acc_sh.at[didx.at[0]], ssems[b]).wait()

    @pl.loop(0, nj)
    def _(j):
        pltpu.make_async_copy(onesv, deg_sh.at[didx.at[0]], dsem).wait()


def _load_idx(wid, kj, nj, ei_hbm, sidx, didx, isem):
    pltpu.async_copy(ei_hbm.at[0, pl.ds(wid * kj, nj)],
                     sidx.at[pl.ds(0, nj)], isem)
    pltpu.async_copy(ei_hbm.at[1, pl.ds(wid * kj, nj)],
                     didx.at[pl.ds(0, nj)], isem)
    for j in range(2):
        pltpu.make_async_copy(ei_hbm.at[0, pl.ds(wid * kj, nj)],
                              sidx.at[pl.ds(0, nj)], isem).wait()


def _fused_body(kj, fullw, lastn, epw, n_acc, rps,
                taug_hbm, ef_hbm, ei_hbm, ones_hbm, zeros_hbm,
                acc_out, deg_out,
                acc_sh, deg_sh, sidx, didx, tb0, tb1, ef0, ef1, ms0, ms1,
                onesv, outv, gs0, gs1, es0, es1, ss0, ss1, dsem, isem):
    c = lax.axis_index("c")
    s = lax.axis_index("s")
    wid = s * NC + c
    base = wid * epw
    tbufs, efvs, msgs = (tb0, tb1), (ef0, ef1), (ms0, ms1)
    gsems, esems, ssems = (gs0, gs1), (es0, es1), (ss0, ss1)
    pltpu.sync_copy(zeros_hbm, acc_sh.at[pl.ds(s * rps, rps)])
    pltpu.sync_copy(zeros_hbm, deg_sh.at[pl.ds(s * rps, rps)])
    pltpu.sync_copy(ones_hbm, onesv)
    plsc.subcore_barrier()

    @pl.when(wid < fullw)
    def _():
        _load_idx(wid, kj, kj, ei_hbm, sidx, didx, isem)
        _edge_chunks(base, kj, sidx, didx, taug_hbm, ef_hbm, acc_sh, deg_sh,
                     tbufs, efvs, msgs, onesv, gsems, esems, ssems, dsem)

    if lastn:
        @pl.when(wid == fullw)
        def _():
            _load_idx(wid, kj, lastn, ei_hbm, sidx, didx, isem)
            _edge_chunks(base, lastn, sidx, didx, taug_hbm, ef_hbm, acc_sh,
                         deg_sh, tbufs, efvs, msgs, onesv, gsems, esems,
                         ssems, dsem)

    plsc.subcore_barrier()
    pltpu.sync_copy(acc_sh.at[pl.ds(s * rps, rps)], outv)
    pltpu.sync_copy(outv, acc_out.at[c, pl.ds(s * rps, rps)])
    pltpu.sync_copy(deg_sh.at[pl.ds(s * rps, rps)], outv)
    pltpu.sync_copy(outv, deg_out.at[c, pl.ds(s * rps, rps)])


def _sc_fused(taug, efeat, ei, n_acc, kj, fullw, lastn):
    epw = kj * CHUNK
    rps = n_acc // NS
    mesh = plsc.VectorSubcoreMesh(core_axis_name="c", subcore_axis_name="s")
    ones = jnp.ones((CHUNK, F), jnp.float32)
    zeros = jnp.zeros((rps, F), jnp.float32)
    out_sds = jax.ShapeDtypeStruct((NC, n_acc, F), jnp.float32)
    return pl.kernel(
        functools.partial(_fused_body, kj, fullw, lastn, epw, n_acc, rps),
        out_type=(out_sds, out_sds),
        mesh=mesh,
        scratch_types=[
            pltpu.VMEM_SHARED((n_acc, F), jnp.float32),
            pltpu.VMEM_SHARED((n_acc, F), jnp.float32),
            pltpu.VMEM((kj, CHUNK), jnp.int32),
            pltpu.VMEM((kj, CHUNK), jnp.int32),
            pltpu.VMEM((CHUNK, TW), jnp.float32),
            pltpu.VMEM((CHUNK, TW), jnp.float32),
            pltpu.VMEM((CHUNK, F), jnp.float32),
            pltpu.VMEM((CHUNK, F), jnp.float32),
            pltpu.VMEM((CHUNK, F), jnp.float32),
            pltpu.VMEM((CHUNK, F), jnp.float32),
            pltpu.VMEM((CHUNK, F), jnp.float32),
            pltpu.VMEM((rps, F), jnp.float32),
            pltpu.SemaphoreType.DMA,
            pltpu.SemaphoreType.DMA,
            pltpu.SemaphoreType.DMA,
            pltpu.SemaphoreType.DMA,
            pltpu.SemaphoreType.DMA,
            pltpu.SemaphoreType.DMA,
            pltpu.SemaphoreType.DMA,
            pltpu.SemaphoreType.DMA,
        ],
        compiler_params=pltpu.CompilerParams(use_tc_tiling_on_sc=False),
    )(taug, efeat, ei, ones, zeros)


def _final_body(n_nodes, rows, a_ref, d_ref, m_ref, bias_ref, g_ref, bt_ref,
                o_ref):
    acc = (a_ref[0] + a_ref[1])[:rows]
    deg = jnp.maximum((d_ref[0] + d_ref[1])[:rows], 1.0)
    rst = acc / deg + bias_ref[...]
    ssum = jnp.sum(rst, axis=0, keepdims=True)
    ssq = jnp.sum(rst * rst, axis=0, keepdims=True)
    mean = jnp.dot(ssum, m_ref[...], preferred_element_type=jnp.float32)
    ex2 = jnp.dot(ssq, m_ref[...], preferred_element_type=jnp.float32)
    var = ex2 - mean * mean
    inv = lax.rsqrt(var + 1e-5)
    o_ref[...] = (rst - mean) * inv * g_ref[...] + bt_ref[...]


def _tc_final(accf, degf, bias, gamma, beta, n_nodes, rows):
    lanes = 128
    per = lanes // F
    mf = ((jnp.arange(lanes)[:, None] % F)
          == (jnp.arange(lanes)[None, :] % F)).astype(jnp.float32) / n_nodes
    biasf = jnp.tile(bias, per)[None, :]
    gammaf = jnp.tile(gamma, per)[None, :]
    betaf = jnp.tile(beta, per)[None, :]
    return pl.pallas_call(
        functools.partial(_final_body, n_nodes, rows),
        out_shape=jax.ShapeDtypeStruct((rows, lanes), jnp.float32),
    )(accf, degf, mf, biasf, gammaf, betaf)


def kernel(feat, efeat, W_e, b_e, bias, gamma, beta, edge_index):
    n_nodes, in_f = feat.shape
    n_edges = edge_index.shape[1]
    out_f = bias.shape[0]

    n_acc = -(-(n_nodes + 1) // 128) * 128
    trash = n_nodes

    ei = edge_index
    if n_edges % CHUNK:
        pad = CHUNK - n_edges % CHUNK
        src = jnp.concatenate([ei[0], jnp.zeros((pad,), jnp.int32)])
        dst = jnp.concatenate([ei[1], jnp.full((pad,), trash, jnp.int32)])
        efeat = jnp.concatenate([efeat, jnp.zeros((pad, in_f), efeat.dtype)])
        ei = jnp.stack([src, dst])
        n_edges += pad
    nchunk = n_edges // CHUNK
    kj = -(-nchunk // NW)
    fullw = nchunk // kj
    lastn = nchunk - fullw * kj

    W2 = W_e.reshape(in_f, in_f, out_f).transpose(1, 0, 2).reshape(
        in_f, in_f * out_f)
    B = b_e.reshape(in_f, out_f)
    taug = _tc_pre(feat, W2, B, n_nodes, 2000)
    ei3 = _tc_repack(ei, nchunk)

    acc2, deg2 = _sc_fused(taug, efeat, ei3, n_acc, kj, fullw, lastn)

    rows_acc = n_acc * out_f // 128
    rows = n_nodes * out_f // 128
    accf = acc2.reshape(NC, rows_acc, 128)
    degf = deg2.reshape(NC, rows_acc, 128)
    outf = _tc_final(accf, degf, bias, gamma, beta, n_nodes, rows)
    return outf.reshape(n_nodes, out_f)

# --- scband reference (transcript-rebuilt; emitter-appended) ---
"""Pipeline reference for scband-dgl-nnconv-39625368273426 (READ-ONLY COPY).

The authoritative reference and input builder live on the scoring server;
editing this copy changes nothing except your own understanding.
"""

import jax, jax.numpy as jnp
import numpy as np

N_NODES = 10000
N_EDGES = 160000
IN_FEATS = 16
OUT_FEATS = 16
D_EDGE = 16


def setup_inputs(seed: int = 0) -> dict:
    key = jax.random.key(seed)
    k0, k1, k2, k3 = jax.random.split(key, 4)
    feat = jax.random.normal(k0, (N_NODES, IN_FEATS), dtype=jnp.float32)
    edge_index = jax.random.randint(k1, (2, N_EDGES), 0, N_NODES, dtype=jnp.int32)
    efeat = jax.random.normal(k2, (N_EDGES, D_EDGE), dtype=jnp.float32)
    # edge_func = Linear(D_EDGE, IN_FEATS*OUT_FEATS)
    W_e = jax.random.normal(k3, (D_EDGE, IN_FEATS * OUT_FEATS), dtype=jnp.float32) / jnp.sqrt(D_EDGE)
    b_e = jnp.zeros((IN_FEATS * OUT_FEATS,), dtype=jnp.float32)
    # NNConv bias (reset_parameters zeros it)
    bias = jnp.zeros((OUT_FEATS,), dtype=jnp.float32)
    # BatchNorm1d affine params
    gamma = jnp.ones((OUT_FEATS,), dtype=jnp.float32)
    beta = jnp.zeros((OUT_FEATS,), dtype=jnp.float32)
    return {
        'feat': feat,
        'efeat': efeat,
        'W_e': W_e,
        'b_e': b_e,
        'bias': bias,
        'gamma': gamma,
        'beta': beta,
        'edge_index': edge_index,
    }


def reference(feat, efeat, W_e, b_e, bias, gamma, beta, edge_index):
    src = edge_index[0]
    dst = edge_index[1]
    # edge_func: Linear(d_edge -> in*out), reshape to per-edge weight matrices
    w = (efeat @ W_e + b_e).reshape(-1, IN_FEATS, OUT_FEATS)  # [E, in, out]
    # u_mul_e: h_src.unsqueeze(-1) * w -> [E, in, out]
    h_src = jnp.take(feat, src, axis=0)  # gather [E, in]
    m = h_src[:, :, None] * w
    # mean reducer over incoming edges per dst node
    neigh_sum = jax.ops.segment_sum(m, dst, num_segments=N_NODES)
    deg = jax.ops.segment_sum(jnp.ones((N_EDGES,), dtype=feat.dtype), dst, num_segments=N_NODES)
    neigh = neigh_sum / jnp.maximum(deg, 1.0)[:, None, None]  # [N, in, out]
    rst = neigh.sum(axis=1)  # sum over in dim -> [N, out]
    rst = rst + bias
    # BatchNorm1d in training mode (batch statistics, biased variance)
    mean = rst.mean(axis=0)
    var = jnp.mean((rst - mean) ** 2, axis=0)
    rst = (rst - mean) / jnp.sqrt(var + 1e-5) * gamma + beta
    return rst

if __name__ == "__main__":
    import jax
    _d = setup_inputs()
    print(jax.jit(kernel)(*tuple(_d.values())))

</pallas_src>

<mosaic_0001>
#map = affine_map<(d0, d1) -> (0, 0)>
#map1 = affine_map<(d0, d1) -> (0, 0, 0)>
module attributes {stable_mosaic.version = 14 : i64} {
  func.func @_fused_body(%arg0: i32, %arg1: i32, %arg2: memref<10000x272xf32, #tpu.memory_space<hbm>>, %arg3: memref<160000x16xf32, #tpu.memory_space<hbm>>, %arg4: memref<2x1256x128xi32, #tpu.memory_space<hbm>>, %arg5: memref<128x16xf32, #tpu.memory_space<hbm>>, %arg6: memref<632x16xf32, #tpu.memory_space<hbm>>, %arg7: memref<2x10112x16xf32, #tpu.memory_space<hbm>>, %arg8: memref<2x10112x16xf32, #tpu.memory_space<hbm>>, %arg9: memref<10112x16xf32, #tpu.memory_space<vmem_shared>>, %arg10: memref<10112x16xf32, #tpu.memory_space<vmem_shared>>, %arg11: memref<40x128xi32, #tpu.memory_space<vmem>>, %arg12: memref<40x128xi32, #tpu.memory_space<vmem>>, %arg13: memref<128x272xf32, #tpu.memory_space<vmem>>, %arg14: memref<128x272xf32, #tpu.memory_space<vmem>>, %arg15: memref<128x16xf32, #tpu.memory_space<vmem>>, %arg16: memref<128x16xf32, #tpu.memory_space<vmem>>, %arg17: memref<128x16xf32, #tpu.memory_space<vmem>>, %arg18: memref<128x16xf32, #tpu.memory_space<vmem>>, %arg19: memref<128x16xf32, #tpu.memory_space<vmem>>, %arg20: memref<632x16xf32, #tpu.memory_space<vmem>>, %arg21: memref<!tpu.dma_semaphore, #tpu.memory_space<semaphore_mem>>, %arg22: memref<!tpu.dma_semaphore, #tpu.memory_space<semaphore_mem>>, %arg23: memref<!tpu.dma_semaphore, #tpu.memory_space<semaphore_mem>>, %arg24: memref<!tpu.dma_semaphore, #tpu.memory_space<semaphore_mem>>, %arg25: memref<!tpu.dma_semaphore, #tpu.memory_space<semaphore_mem>>, %arg26: memref<!tpu.dma_semaphore, #tpu.memory_space<semaphore_mem>>, %arg27: memref<!tpu.dma_semaphore, #tpu.memory_space<semaphore_mem>>, %arg28: memref<!tpu.dma_semaphore, #tpu.memory_space<semaphore_mem>>) attributes {dimension_semantics = [#tpu.dimension_semantics<core_parallel>, #tpu.dimension_semantics<subcore_parallel>], iteration_bounds = array<i64: 2, 16>, scalar_prefetch = 0 : i64, scratch_operands = 20 : i64, tpu.core_type = #tpu.core_type<sc_vector_subcore>, window_params = [{transform_indices = #map}, {transform_indices = #map}, {transform_indices = #map1}, {transform_indices = #map}, {transform_indices = #map}, {transform_indices = #map1}, {transform_indices = #map1}]} {
    %mul3A = arith.constant 2 : i32
    %mul3A_0 = arith.muli %arg1, %mul3A : i32
    %add3A = arith.addi %mul3A_0, %arg0 : i32
    %mul3A_1 = arith.constant 5120 : i32
    %mul3A_2 = arith.muli %add3A, %mul3A_1 : i32
    %mul3A_3 = arith.constant 632 : i32
    %mul3A_4 = arith.muli %arg1, %mul3A_3 : i32
    "tpu.region"() ({
      %run_scoped3A = tpu.sem_alloc : memref<!tpu.dma_semaphore, #tpu.memory_space<semaphore_mem>>
      %dma_start3A = arith.constant 0 : i32
      %dma_start3A_22 = tpu.memref_slice %arg9[%mul3A_4, %dma_start3A] : memref<10112x16xf32, #tpu.memory_space<vmem_shared>> -> memref<632x16xf32, #tpu.memory_space<vmem_shared>>
      tpu.enqueue_dma source(%arg6 : memref<632x16xf32, #tpu.memory_space<hbm>>) target(%dma_start3A_22 : memref<632x16xf32, #tpu.memory_space<vmem_shared>>) target_semaphore(%run_scoped3A : memref<!tpu.dma_semaphore, #tpu.memory_space<semaphore_mem>>)
      %dma_wait3A = arith.constant 0 : i32
      %dma_wait3A_23 = tpu.memref_slice %arg9[%mul3A_4, %dma_wait3A] : memref<10112x16xf32, #tpu.memory_space<vmem_shared>> -> memref<632x16xf32, #tpu.memory_space<vmem_shared>>
      tpu.wait_dma2 semaphore(%run_scoped3A : memref<!tpu.dma_semaphore, #tpu.memory_space<semaphore_mem>>) src(%arg6 : memref<632x16xf32, #tpu.memory_space<hbm>>) dst(%dma_wait3A_23 : memref<632x16xf32, #tpu.memory_space<vmem_shared>>)
      tpu.yield
    }) : () -> ()
    %mul3A_5 = arith.constant 632 : i32
    %mul3A_6 = arith.muli %arg1, %mul3A_5 : i32
    "tpu.region"() ({
      %run_scoped3A = tpu.sem_alloc : memref<!tpu.dma_semaphore, #tpu.memory_space<semaphore_mem>>
      %dma_start3A = arith.constant 0 : i32
      %dma_start3A_22 = tpu.memref_slice %arg10[%mul3A_6, %dma_start3A] : memref<10112x16xf32, #tpu.memory_space<vmem_shared>> -> memref<632x16xf32, #tpu.memory_space<vmem_shared>>
      tpu.enqueue_dma source(%arg6 : memref<632x16xf32, #tpu.memory_space<hbm>>) target(%dma_start3A_22 : memref<632x16xf32, #tpu.memory_space<vmem_shared>>) target_semaphore(%run_scoped3A : memref<!tpu.dma_semaphore, #tpu.memory_space<semaphore_mem>>)
      %dma_wait3A = arith.constant 0 : i32
      %dma_wait3A_23 = tpu.memref_slice %arg10[%mul3A_6, %dma_wait3A] : memref<10112x16xf32, #tpu.memory_space<vmem_shared>> -> memref<632x16xf32, #tpu.memory_space<vmem_shared>>
      tpu.wait_dma2 semaphore(%run_scoped3A : memref<!tpu.dma_semaphore, #tpu.memory_space<semaphore_mem>>) src(%arg6 : memref<632x16xf32, #tpu.memory_space<hbm>>) dst(%dma_wait3A_23 : memref<632x16xf32, #tpu.memory_space<vmem_shared>>)
      tpu.yield
    }) : () -> ()
    "tpu.region"() ({
      %run_scoped3A = tpu.sem_alloc : memref<!tpu.dma_semaphore, #tpu.memory_space<semaphore_mem>>
      tpu.enqueue_dma source(%arg5 : memref<128x16xf32, #tpu.memory_space<hbm>>) target(%arg19 : memref<128x16xf32, #tpu.memory_space<vmem>>) target_semaphore(%run_scoped3A : memref<!tpu.dma_semaphore, #tpu.memory_space<semaphore_mem>>)
      tpu.wait_dma2 semaphore(%run_scoped3A : memref<!tpu.dma_semaphore, #tpu.memory_space<semaphore_mem>>) src(%arg5 : memref<128x16xf32, #tpu.memory_space<hbm>>) dst(%arg19 : memref<128x16xf32, #tpu.memory_space<vmem>>)
      tpu.yield
    }) : () -> ()
    %barrier3A = arith.constant 0 : index
    tpu.barrier barrier_id(%barrier3A)
    %lt3A = arith.constant 31 : i32
    %lt3A_7 = arith.cmpi slt, %add3A, %lt3A : i32
    %convert_element_type3A = arith.extui %lt3A_7 : i1 to i32
    %cond3A = arith.constant 0 : i32
    %cond3A_8 = arith.cmpi ne, %convert_element_type3A, %cond3A : i32
    scf.if %cond3A_8 {
      %mul3A_22 = arith.constant 40 : i32
      %mul3A_23 = arith.muli %add3A, %mul3A_22 : i32
      %dma_start3A = arith.constant 0 : i32
      %dma_start3A_24 = arith.constant 0 : i32
      %dma_start3A_25 = arith.constant 0 : i32
      %dma_start3A_26 = tpu.memref_slice %arg11[%dma_start3A_24, %dma_start3A_25] : memref<40x128xi32, #tpu.memory_space<vmem>> -> memref<40x128xi32, #tpu.memory_space<vmem>>
      %dma_start3A_27 = arith.constant 0 : i32
      %dma_start3A_28 = tpu.memref_slice %arg4[%dma_start3A, %mul3A_23, %dma_start3A_27] : memref<2x1256x128xi32, #tpu.memory_space<hbm>> -> memref<1x40x128xi32, #tpu.memory_space<hbm>>
      %dma_start3A_29 = tpu.memref_squeeze %dma_start3A_28 : memref<1x40x128xi32, #tpu.memory_space<hbm>> -> memref<40x128xi32, #tpu.memory_space<hbm>>
      %dma_start3A_30 = arith.constant 0 : i32
      %dma_start3A_31 = arith.constant 0 : i32
      %dma_start3A_32 = tpu.memref_slice %arg11[%dma_start3A_30, %dma_start3A_31] : memref<40x128xi32, #tpu.memory_space<vmem>> -> memref<40x128xi32, #tpu.memory_space<vmem>>
      %dma_start3A_33 = arith.constant 0 : i32
      %dma_start3A_34 = tpu.memref_slice %arg4[%dma_start3A, %mul3A_23, %dma_start3A_33] : memref<2x1256x128xi32, #tpu.memory_space<hbm>> -> memref<1x40x128xi32, #tpu.memory_space<hbm>>
      %dma_start3A_35 = tpu.memref_squeeze %dma_start3A_34 : memref<1x40x128xi32, #tpu.memory_space<hbm>> -> memref<40x128xi32, #tpu.memory_space<hbm>>
      tpu.enqueue_dma source(%dma_start3A_35 : memref<40x128xi32, #tpu.memory_space<hbm>>) target(%dma_start3A_32 : memref<40x128xi32, #tpu.memory_space<vmem>>) target_semaphore(%arg28 : memref<!tpu.dma_semaphore, #tpu.memory_space<semaphore_mem>>)
      %mul3A_36 = arith.constant 40 : i32
      %mul3A_37 = arith.muli %add3A, %mul3A_36 : i32
      %dma_start3A_38 = arith.constant 1 : i32
      %dma_start3A_39 = arith.constant 0 : i32
      %dma_start3A_40 = arith.constant 0 : i32
      %dma_start3A_41 = tpu.memref_slice %arg12[%dma_start3A_39, %dma_start3A_40] : memref<40x128xi32, #tpu.memory_space<vmem>> -> memref<40x128xi32, #tpu.memory_space<vmem>>
      %dma_start3A_42 = arith.constant 0 : i32
      %dma_start3A_43 = tpu.memref_slice %arg4[%dma_start3A_38, %mul3A_37, %dma_start3A_42] : memref<2x1256x128xi32, #tpu.memory_space<hbm>> -> memref<1x40x128xi32, #tpu.memory_space<hbm>>
      %dma_start3A_44 = tpu.memref_squeeze %dma_start3A_43 : memref<1x40x128xi32, #tpu.memory_space<hbm>> -> memref<40x128xi32, #tpu.memory_space<hbm>>
      %dma_start3A_45 = arith.constant 0 : i32
      %dma_start3A_46 = arith.constant 0 : i32
      %dma_start3A_47 = tpu.memref_slice %arg12[%dma_start3A_45, %dma_start3A_46] : memref<40x128xi32, #tpu.memory_space<vmem>> -> memref<40x128xi32, #tpu.memory_space<vmem>>
      %dma_start3A_48 = arith.constant 0 : i32
      %dma_start3A_49 = tpu.memref_slice %arg4[%dma_start3A_38, %mul3A_37, %dma_start3A_48] : memref<2x1256x128xi32, #tpu.memory_space<hbm>> -> memref<1x40x128xi32, #tpu.memory_space<hbm>>
      %dma_start3A_50 = tpu.memref_squeeze %dma_start3A_49 : memref<1x40x128xi32, #tpu.memory_space<hbm>> -> memref<40x128xi32, #tpu.memory_space<hbm>>
      tpu.enqueue_dma source(%dma_start3A_50 : memref<40x128xi32, #tpu.memory_space<hbm>>) target(%dma_start3A_47 : memref<40x128xi32, #tpu.memory_space<vmem>>) target_semaphore(%arg28 : memref<!tpu.dma_semaphore, #tpu.memory_space<semaphore_mem>>)
      %mul3A_51 = arith.constant 40 : i32
      %mul3A_52 = arith.muli %add3A, %mul3A_51 : i32
      %dma_wait3A = arith.constant 0 : i32
      %dma_wait3A_53 = arith.constant 0 : i32
      %dma_wait3A_54 = arith.constant 0 : i32
      %dma_wait3A_55 = tpu.memref_slice %arg11[%dma_wait3A_53, %dma_wait3A_54] : memref<40x128xi32, #tpu.memory_space<vmem>> -> memref<40x128xi32, #tpu.memory_space<vmem>>
      %dma_wait3A_56 = arith.constant 0 : i32
      %dma_wait3A_57 = tpu.memref_slice %arg4[%dma_wait3A, %mul3A_52, %dma_wait3A_56] : memref<2x1256x128xi32, #tpu.memory_space<hbm>> -> memref<1x40x128xi32, #tpu.memory_space<hbm>>
      %dma_wait3A_58 = tpu.memref_squeeze %dma_wait3A_57 : memref<1x40x128xi32, #tpu.memory_space<hbm>> -> memref<40x128xi32, #tpu.memory_space<hbm>>
      %dma_wait3A_59 = arith.constant 0 : i32
      %dma_wait3A_60 = arith.constant 0 : i32
      %dma_wait3A_61 = tpu.memref_slice %arg11[%dma_wait3A_59, %dma_wait3A_60] : memref<40x128xi32, #tpu.memory_space<vmem>> -> memref<40x128xi32, #tpu.memory_space<vmem>>
      %dma_wait3A_62 = arith.constant 0 : i32
      %dma_wait3A_63 = tpu.memref_slice %arg4[%dma_wait3A, %mul3A_52, %dma_wait3A_62] : memref<2x1256x128xi32, #tpu.memory_space<hbm>> -> memref<1x40x128xi32, #tpu.memory_space<hbm>>
      %dma_wait3A_64 = tpu.memref_squeeze %dma_wait3A_63 : memref<1x40x128xi32, #tpu.memory_space<hbm>> -> memref<40x128xi32, #tpu.memory_space<hbm>>
      tpu.wait_dma2 semaphore(%arg28 : memref<!tpu.dma_semaphore, #tpu.memory_space<semaphore_mem>>) src(%dma_wait3A_64 : memref<40x128xi32, #tpu.memory_space<hbm>>) dst(%dma_wait3A_61 : memref<40x128xi32, #tpu.memory_space<vmem>>)
      %mul3A_65 = arith.constant 40 : i32
      %mul3A_66 = arith.muli %add3A, %mul3A_65 : i32
      %dma_wait3A_67 = arith.constant 0 : i32
      %dma_wait3A_68 = arith.constant 0 : i32
      %dma_wait3A_69 = arith.constant 0 : i32
      %dma_wait3A_70 = tpu.memref_slice %arg11[%dma_wait3A_68, %dma_wait3A_69] : memref<40x128xi32, #tpu.memory_space<vmem>> -> memref<40x128xi32, #tpu.memory_space<vmem>>
      %dma_wait3A_71 = arith.constant 0 : i32
      %dma_wait3A_72 = tpu.memref_slice %arg4[%dma_wait3A_67, %mul3A_66, %dma_wait3A_71] : memref<2x1256x128xi32, #tpu.memory_space<hbm>> -> memref<1x40x128xi32, #tpu.memory_space<hbm>>
      %dma_wait3A_73 = tpu.memref_squeeze %dma_wait3A_72 : memref<1x40x128xi32, #tpu.memory_space<hbm>> -> memref<40x128xi32, #tpu.memory_space<hbm>>
      %dma_wait3A_74 = arith.constant 0 : i32
      %dma_wait3A_75 = arith.constant 0 : i32
      %dma_wait3A_76 = tpu.memref_slice %arg11[%dma_wait3A_74, %dma_wait3A_75] : memref<40x128xi32, #tpu.memory_space<vmem>> -> memref<40x128xi32, #tpu.memory_space<vmem>>
      %dma_wait3A_77 = arith.constant 0 : i32
      %dma_wait3A_78 = tpu.memref_slice %arg4[%dma_wait3A_67, %mul3A_66, %dma_wait3A_77] : memref<2x1256x128xi32, #tpu.memory_space<hbm>> -> memref<1x40x128xi32, #tpu.memory_space<hbm>>
      %dma_wait3A_79 = tpu.memref_squeeze %dma_wait3A_78 : memref<1x40x128xi32, #tpu.memory_space<hbm>> -> memref<40x128xi32, #tpu.memory_space<hbm>>
      tpu.wait_dma2 semaphore(%arg28 : memref<!tpu.dma_semaphore, #tpu.memory_space<semaphore_mem>>) src(%dma_wait3A_79 : memref<40x128xi32, #tpu.memory_space<hbm>>) dst(%dma_wait3A_76 : memref<40x128xi32, #tpu.memory_space<vmem>>)
      %add3A_80 = arith.constant 0 : i32
      %add3A_81 = arith.addi %mul3A_2, %add3A_80 : i32
      %dma_start3A_82 = arith.constant 0 : i32
      %dma_start3A_83 = tpu.memref_slice %arg3[%add3A_81, %dma_start3A_82] : memref<160000x16xf32, #tpu.memory_space<hbm>> -> memref<128x16xf32, #tpu.memory_space<hbm>>
      %dma_start3A_84 = arith.constant 0 : i32
      %dma_start3A_85 = tpu.memref_slice %arg3[%add3A_81, %dma_start3A_84] : memref<160000x16xf32, #tpu.memory_space<hbm>> -> memref<128x16xf32, #tpu.memory_space<hbm>>
      tpu.enqueue_dma source(%dma_start3A_85 : memref<128x16xf32, #tpu.memory_space<hbm>>) target(%arg15 : memref<128x16xf32, #tpu.memory_space<vmem>>) target_semaphore(%arg23 : memref<!tpu.dma_semaphore, #tpu.memory_space<semaphore_mem>>)
      %dma_start3A_86 = arith.constant 0 : i32
      %dma_start3A_87 = arith.constant 0 : i32
      %dma_start3A_88 = tpu.memref_slice %arg11[%dma_start3A_86, %dma_start3A_87] : memref<40x128xi32, #tpu.memory_space<vmem>> -> memref<1x128xi32, #tpu.memory_space<vmem>>
      %dma_start3A_89 = tpu.memref_squeeze %dma_start3A_88 : memref<1x128xi32, #tpu.memory_space<vmem>> -> memref<128xi32, #tpu.memory_space<vmem>>
      %dma_start3A_90 = arith.constant 0 : i32
      %dma_start3A_91 = arith.constant 0 : i32
      %dma_start3A_92 = tpu.memref_slice %arg2[%dma_start3A_90, %dma_start3A_91] : memref<10000x272xf32, #tpu.memory_space<hbm>> -> memref<10000x272xf32, #tpu.memory_space<hbm>>
      tpu.enqueue_indirect_dma source(%dma_start3A_92 : memref<10000x272xf32, #tpu.memory_space<hbm>>) target(%arg13 : memref<128x272xf32, #tpu.memory_space<vmem>>) offsets(%dma_start3A_89 : memref<128xi32, #tpu.memory_space<vmem>>) semaphore(%arg21 : memref<!tpu.dma_semaphore, #tpu.memory_space<semaphore_mem>>)
      %add3A_93 = arith.constant 128 : i32
      %add3A_94 = arith.addi %mul3A_2, %add3A_93 : i32
      %dma_start3A_95 = arith.constant 0 : i32
      %dma_start3A_96 = tpu.memref_slice %arg3[%add3A_94, %dma_start3A_95] : memref<160000x16xf32, #tpu.memory_space<hbm>> -> memref<128x16xf32, #tpu.memory_space<hbm>>
      %dma_start3A_97 = arith.constant 0 : i32
      %dma_start3A_98 = tpu.memref_slice %arg3[%add3A_94, %dma_start3A_97] : memref<160000x16xf32, #tpu.memory_space<hbm>> -> memref<128x16xf32, #tpu.memory_space<hbm>>
      tpu.enqueue_dma source(%dma_start3A_98 : memref<128x16xf32, #tpu.memory_space<hbm>>) target(%arg16 : memref<128x16xf32, #tpu.memory_space<vmem>>) target_semaphore(%arg24 : memref<!tpu.dma_semaphore, #tpu.memory_space<semaphore_mem>>)
      %dma_start3A_99 = arith.constant 1 : i32
      %dma_start3A_100 = arith.constant 0 : i32
      %dma_start3A_101 = tpu.memref_slice %arg11[%dma_start3A_99, %dma_start3A_100] : memref<40x128xi32, #tpu.memory_space<vmem>> -> memref<1x128xi32, #tpu.memory_space<vmem>>
      %dma_start3A_102 = tpu.memref_squeeze %dma_start3A_101 : memref<1x128xi32, #tpu.memory_space<vmem>> -> memref<128xi32, #tpu.memory_space<vmem>>
      %dma_start3A_103 = arith.constant 0 : i32
      %dma_start3A_104 = arith.constant 0 : i32
      %dma_start3A_105 = tpu.memref_slice %arg2[%dma_start3A_103, %dma_start3A_104] : memref<10000x272xf32, #tpu.memory_space<hbm>> -> memref<10000x272xf32, #tpu.memory_space<hbm>>
      tpu.enqueue_indirect_dma source(%dma_start3A_105 : memref<10000x272xf32, #tpu.memory_space<hbm>>) target(%arg14 : memref<128x272xf32, #tpu.memory_space<vmem>>) offsets(%dma_start3A_102 : memref<128xi32, #tpu.memory_space<vmem>>) semaphore(%arg22 : memref<!tpu.dma_semaphore, #tpu.memory_space<semaphore_mem>>)
      %scan3A = arith.constant 0 : i32
      %scan3A_106 = arith.constant 20 : i32
      %scan3A_107 = arith.addi %scan3A, %scan3A_106 : i32
      %scan3A_108 = arith.constant 1 : i32
      scf.for %scan3A_129 = %scan3A to %scan3A_107 step %scan3A_108  : i32 {
        %mul3A_130 = arith.constant 2 : i32
        %mul3A_131 = arith.muli %scan3A_129, %mul3A_130 : i32
        %add3A_132 = arith.constant 0 : i32
        %add3A_133 = arith.addi %add3A_132, %mul3A_131 : i32
        %add3A_134 = arith.constant 0 : i32
        %add3A_135 = arith.addi %add3A_133, %add3A_134 : i32
        %lt3A_136 = arith.constant 40 : i32
        %lt3A_137 = arith.cmpi slt, %add3A_135, %lt3A_136 : i32
        %convert_element_type3A_138 = arith.extui %lt3A_137 : i1 to i32
        %cond3A_139 = arith.constant 0 : i32
        %cond3A_140 = arith.cmpi ne, %convert_element_type3A_138, %cond3A_139 : i32
        scf.if %cond3A_140 {
          %mul3A_148 = arith.constant 128 : i32
          %mul3A_149 = arith.muli %add3A_135, %mul3A_148 : i32
          %add3A_150 = arith.addi %mul3A_2, %mul3A_149 : i32
          %dma_wait3A_151 = arith.constant 0 : i32
          %dma_wait3A_152 = tpu.memref_slice %arg3[%add3A_150, %dma_wait3A_151] : memref<160000x16xf32, #tpu.memory_space<hbm>> -> memref<128x16xf32, #tpu.memory_space<hbm>>
          %dma_wait3A_153 = arith.constant 0 : i32
          %dma_wait3A_154 = tpu.memref_slice %arg3[%add3A_150, %dma_wait3A_153] : memref<160000x16xf32, #tpu.memory_space<hbm>> -> memref<128x16xf32, #tpu.memory_space<hbm>>
          tpu.wait_dma2 semaphore(%arg23 : memref<!tpu.dma_semaphore, #tpu.memory_space<semaphore_mem>>) src(%dma_wait3A_154 : memref<128x16xf32, #tpu.memory_space<hbm>>) dst(%arg15 : memref<128x16xf32, #tpu.memory_space<vmem>>)
          %dma_wait3A_155 = arith.constant 0 : i32
          %dma_wait3A_156 = tpu.memref_slice %arg11[%add3A_135, %dma_wait3A_155] : memref<40x128xi32, #tpu.memory_space<vmem>> -> memref<1x128xi32, #tpu.memory_space<vmem>>
          %dma_wait3A_157 = tpu.memref_squeeze %dma_wait3A_156 : memref<1x128xi32, #tpu.memory_space<vmem>> -> memref<128xi32, #tpu.memory_space<vmem>>
          %dma_wait3A_158 = arith.constant 0 : i32
          %dma_wait3A_159 = arith.constant 0 : i32
          %dma_wait3A_160 = tpu.memref_slice %arg2[%dma_wait3A_158, %dma_wait3A_159] : memref<10000x272xf32, #tpu.memory_space<hbm>> -> memref<10000x272xf32, #tpu.memory_space<hbm>>
          tpu.wait_indirect_dma semaphore(%arg21 : memref<!tpu.dma_semaphore, #tpu.memory_space<semaphore_mem>>) src(%dma_wait3A_160 : memref<10000x272xf32, #tpu.memory_space<hbm>>) dst(%arg13 : memref<128x272xf32, #tpu.memory_space<vmem>>)
          %ge3A = arith.constant 2 : i32
          %ge3A_161 = arith.cmpi sge, %add3A_135, %ge3A : i32
          %convert_element_type3A_162 = arith.extui %ge3A_161 : i1 to i32
          %cond3A_163 = arith.constant 0 : i32
          %cond3A_164 = arith.cmpi ne, %convert_element_type3A_162, %cond3A_163 : i32
          scf.if %cond3A_164 {
            %dma_wait3A_189 = arith.constant 0 : i32
            %dma_wait3A_190 = tpu.memref_slice %arg12[%add3A_135, %dma_wait3A_189] : memref<40x128xi32, #tpu.memory_space<vmem>> -> memref<1x128xi32, #tpu.memory_space<vmem>>
            %dma_wait3A_191 = tpu.memref_squeeze %dma_wait3A_190 : memref<1x128xi32, #tpu.memory_space<vmem>> -> memref<128xi32, #tpu.memory_space<vmem>>
            %dma_wait3A_192 = arith.constant 0 : i32
            %dma_wait3A_193 = arith.constant 0 : i32
            %dma_wait3A_194 = tpu.memref_slice %arg9[%dma_wait3A_192, %dma_wait3A_193] : memref<10112x16xf32, #tpu.memory_space<vmem_shared>> -> memref<10112x16xf32, #tpu.memory_space<vmem_shared>>
            tpu.wait_indirect_dma semaphore(%arg25 : memref<!tpu.dma_semaphore, #tpu.memory_space<semaphore_mem>>) src(%arg17 : memref<128x16xf32, #tpu.memory_space<vmem>>) dst(%dma_wait3A_194 : memref<10112x16xf32, #tpu.memory_space<vmem_shared>>)
          } else {
          }
          %scan3A_165 = arith.constant 0 : i32
          %scan3A_166 = arith.constant 128 : i32
          %scan3A_167 = arith.addi %scan3A_165, %scan3A_166 : i32
          %scan3A_168 = arith.constant 1 : i32
          scf.for %scan3A_189 = %scan3A_165 to %scan3A_167 step %scan3A_168  : i32 {
            %mul3A_190 = arith.constant 1 : i32
            %mul3A_191 = arith.muli %scan3A_189, %mul3A_190 : i32
            %add3A_192 = arith.constant 0 : i32
            %add3A_193 = arith.addi %add3A_192, %mul3A_191 : i32
            %get3A = arith.index_cast %add3A_193 : i32 to index
            %get3A_194 = arith.constant 0 : index
            %get3A_195 = tpu.vector_load %arg15[%get3A, %get3A_194] {strides = array<i32>} : memref<128x16xf32, #tpu.memory_space<vmem>>, vector<1x16xf32>,
            %get3A_196 = vector.shape_cast %get3A_195 : vector<1x16xf32> to vector<16xf32>
            %get3A_197 = arith.index_cast %add3A_193 : i32 to index
            %get3A_198 = arith.constant 256 : index
            %get3A_199 = tpu.vector_load %arg13[%get3A_197, %get3A_198] {strides = array<i32>} : memref<128x272xf32, #tpu.memory_space<vmem>>, vector<1x16xf32>,
            %get3A_200 = vector.shape_cast %get3A_199 : vector<1x16xf32> to vector<16xf32>
            %slice3A = vector.extract_strided_slice %get3A_196 {offsets = [0], sizes = [1], strides = [1]} : vector<16xf32> to vector<1xf32>
            %squeeze3A = vector.extract %slice3A[0] : f32 from vector<1xf32>
            %get3A_201 = arith.index_cast %add3A_193 : i32 to index
            %get3A_202 = arith.constant 0 : index
            %get3A_203 = tpu.vector_load %arg13[%get3A_201, %get3A_202] {strides = array<i32>} : memref<128x272xf32, #tpu.memory_space<vmem>>, vector<1x16xf32>,
            %get3A_204 = vector.shape_cast %get3A_203 : vector<1x16xf32> to vector<16xf32>
            %mul3A_205 = vector.broadcast %squeeze3A : f32 to vector<16xf32>
            %mul3A_206 = arith.mulf %mul3A_205, %get3A_204 : vector<16xf32>
            %add3A_207 = arith.addf %get3A_200, %mul3A_206 : vector<16xf32>
            %slice3A_208 = vector.extract_strided_slice %get3A_196 {offsets = [1], sizes = [1], strides = [1]} : vector<16xf32> to vector<1xf32>
            %squeeze3A_209 = vector.extract %slice3A_208[0] : f32 from vector<1xf32>
            %get3A_210 = arith.index_cast %add3A_193 : i32 to index
            %get3A_211 = arith.constant 16 : index
            %get3A_212 = tpu.vector_load %arg13[%get3A_210, %get3A_211] {strides = array<i32>} : memref<128x272xf32, #tpu.memory_space<vmem>>, vector<1x16xf32>,
            %get3A_213 = vector.shape_cast %get3A_212 : vector<1x16xf32> to vector<16xf32>
            %mul3A_214 = vector.broadcast %squeeze3A_209 : f32 to vector<16xf32>
            %mul3A_215 = arith.mulf %mul3A_214, %get3A_213 : vector<16xf32>
            %slice3A_216 = vector.extract_strided_slice %get3A_196 {offsets = [2], sizes = [1], strides = [1]} : vector<16xf32> to vector<1xf32>
            %squeeze3A_217 = vector.extract %slice3A_216[0] : f32 from vector<1xf32>
            %get3A_218 = arith.index_cast %add3A_193 : i32 to index
            %get3A_219 = arith.constant 32 : index
            %get3A_220 = tpu.vector_load %arg13[%get3A_218, %get3A_219] {strides = array<i32>} : memref<128x272xf32, #tpu.memory_space<vmem>>, vector<1x16xf32>,
            %get3A_221 = vector.shape_cast %get3A_220 : vector<1x16xf32> to vector<16xf32>
            %mul3A_222 = vector.broadcast %squeeze3A_217 : f32 to vector<16xf32>
            %mul3A_223 = arith.mulf %mul3A_222, %get3A_221 : vector<16xf32>
            %slice3A_224 = vector.extract_strided_slice %get3A_196 {offsets = [3], sizes = [1], strides = [1]} : vector<16xf32> to vector<1xf32>
            %squeeze3A_225 = vector.extract %slice3A_224[0] : f32 from vector<1xf32>
            %get3A_226 = arith.index_cast %add3A_193 : i32 to index
            %get3A_227 = arith.constant 48 : index
            %get3A_228 = tpu.vector_load %arg13[%get3A_226, %get3A_227] {strides = array<i32>} : memref<128x272xf32, #tpu.memory_space<vmem>>, vector<1x16xf32>,
            %get3A_229 = vector.shape_cast %get3A_228 : vector<1x16xf32> to vector<16xf32>
            %mul3A_230 = vector.broadcast %squeeze3A_225 : f32 to vector<16xf32>
            %mul3A_231 = arith.mulf %mul3A_230, %get3A_229 : vector<16xf32>
            %slice3A_232 = vector.extract_strided_slice %get3A_196 {offsets = [4], sizes = [1], strides = [1]} : vector<16xf32> to vector<1xf32>
            %squeeze3A_233 = vector.extract %slice3A_232[0] : f32 from vector<1xf32>
            %get3A_234 = arith.index_cast %add3A_193 : i32 to index
            %get3A_235 = arith.constant 64 : index
            %get3A_236 = tpu.vector_load %arg13[%get3A_234, %get3A_235] {strides = array<i32>} : memref<128x272xf32, #tpu.memory_space<vmem>>, vector<1x16xf32>,
            %get3A_237 = vector.shape_cast %get3A_236 : vector<1x16xf32> to vector<16xf32>
            %mul3A_238 = vector.broadcast %squeeze3A_233 : f32 to vector<16xf32>
            %mul3A_239 = arith.mulf %mul3A_238, %get3A_237 : vector<16xf32>
            %add3A_240 = arith.addf %add3A_207, %mul3A_239 : vector<16xf32>
            %slice3A_241 = vector.extract_strided_slice %get3A_196 {offsets = [5], sizes = [1], strides = [1]} : vector<16xf32> to vector<1xf32>
            %squeeze3A_242 = vector.extract %slice3A_241[0] : f32 from vector<1xf32>
            %get3A_243 = arith.index_cast %add3A_193 : i32 to index
            %get3A_244 = arith.constant 80 : index
            %get3A_245 = tpu.vector_load %arg13[%get3A_243, %get3A_244] {strides = array<i32>} : memref<128x272xf32, #tpu.memory_space<vmem>>, vector<1x16xf32>,
            %get3A_246 = vector.shape_cast %get3A_245 : vector<1x16xf32> to vector<16xf32>
            %mul3A_247 = vector.broadcast %squeeze3A_242 : f32 to vector<16xf32>
            %mul3A_248 = arith.mulf %mul3A_247, %get3A_246 : vector<16xf32>
            %add3A_249 = arith.addf %mul3A_215, %mul3A_248 : vector<16xf32>
            %slice3A_250 = vector.extract_strided_slice %get3A_196 {offsets = [6], sizes = [1], strides = [1]} : vector<16xf32> to vector<1xf32>
            %squeeze3A_251 = vector.extract %slice3A_250[0] : f32 from vector<1xf32>
            %get3A_252 = arith.index_cast %add3A_193 : i32 to index
            %get3A_253 = arith.constant 96 : index
            %get3A_254 = tpu.vector_load %arg13[%get3A_252, %get3A_253] {strides = array<i32>} : memref<128x272xf32, #tpu.memory_space<vmem>>, vector<1x16xf32>,
            %get3A_255 = vector.shape_cast %get3A_254 : vector<1x16xf32> to vector<16xf32>
            %mul3A_256 = vector.broadcast %squeeze3A_251 : f32 to vector<16xf32>
            %mul3A_257 = arith.mulf %mul3A_256, %get3A_255 : vector<16xf32>
            %add3A_258 = arith.addf %mul3A_223, %mul3A_257 : vector<16xf32>
            %slice3A_259 = vector.extract_strided_slice %get3A_196 {offsets = [7], sizes = [1], strides = [1]} : vector<16xf32> to vector<1xf32>
            %squeeze3A_260 = vector.extract %slice3A_259[0] : f32 from vector<1xf32>
            %get3A_261 = arith.index_cast %add3A_193 : i32 to index
            %get3A_262 = arith.constant 112 : index
            %get3A_263 = tpu.vector_load %arg13[%get3A_261, %get3A_262] {strides = array<i32>} : memref<128x272xf32, #tpu.memory_space<vmem>>, vector<1x16xf32>,
            %get3A_264 = vector.shape_cast %get3A_263 : vector<1x16xf32> to vector<16xf32>
            %mul3A_265 = vector.broadcast %squeeze3A_260 : f32 to vector<16xf32>
            %mul3A_266 = arith.mulf %mul3A_265, %get3A_264 : vector<16xf32>
            %add3A_267 = arith.addf %mul3A_231, %mul3A_266 : vector<16xf32>
            %slice3A_268 = vector.extract_strided_slice %get3A_196 {offsets = [8], sizes = [1], strides = [1]} : vector<16xf32> to vector<1xf32>
            %squeeze3A_269 = vector.extract %slice3A_268[0] : f32 from vector<1xf32>
            %get3A_270 = arith.index_cast %add3A_193 : i32 to index
            %get3A_271 = arith.constant 128 : index
            %get3A_272 = tpu.vector_load %arg13[%get3A_270, %get3A_271] {strides = array<i32>} : memref<128x272xf32, #tpu.memory_space<vmem>>, vector<1x16xf32>,
            %get3A_273 = vector.shape_cast %get3A_272 : vector<1x16xf32> to vector<16xf32>
            %mul3A_274 = vector.broadcast %squeeze3A_269 : f32 to vector<16xf32>
            %mul3A_275 = arith.mulf %mul3A_274, %get3A_273 : vector<16xf32>
            %add3A_276 = arith.addf %add3A_240, %mul3A_275 : vector<16xf32>
            %slice3A_277 = vector.extract_strided_slice %get3A_196 {offsets = [9], sizes = [1], strides = [1]} : vector<16xf32> to vector<1xf32>
            %squeeze3A_278 = vector.extract %slice3A_277[0] : f32 from vector<1xf32>
            %get3A_279 = arith.index_cast %add3A_193 : i32 to index
            %get3A_280 = arith.constant 144 : index
            %get3A_281 = tpu.vector_load %arg13[%get3A_279, %get3A_280] {strides = array<i32>} : memref<128x272xf32, #tpu.memory_space<vmem>>, vector<1x16xf32>,
            %get3A_282 = vector.shape_cast %get3A_281 : vector<1x16xf32> to vector<16xf32>
            %mul3A_283 = vector.broadcast %squeeze3A_278 : f32 to vector<16xf32>
            %mul3A_284 = arith.mulf %mul3A_283, %get3A_282 : vector<16xf32>
            %add3A_285 = arith.addf %add3A_249, %mul3A_284 : vector<16xf32>
            %slice3A_286 = vector.extract_strided_slice %get3A_196 {offsets = [10], sizes = [1], strides = [1]} : vector<16xf32> to vector<1xf32>
            %squeeze3A_287 = vector.extract %slice3A_286[0] : f32 from vector<1xf32>
            %get3A_288 = arith.index_cast %add3A_193 : i32 to index
            %get3A_289 = arith.constant 160 : index
            %get3A_290 = tpu.vector_load %arg13[%get3A_288, %get3A_289] {strides = array<i32>} : memref<128x272xf32, #tpu.memory_space<vmem>>, vector<1x16xf32>,
            %get3A_291 = vector.shape_cast %get3A_290 : vector<1x16xf32> to vector<16xf32>
            %mul3A_292 = vector.broadcast %squeeze3A_287 : f32 to vector<16xf32>
            %mul3A_293 = arith.mulf %mul3A_292, %get3A_291 : vector<16xf32>
            %add3A_294 = arith.addf %add3A_258, %mul3A_293 : vector<16xf32>
            %slice3A_295 = vector.extract_strided_slice %get3A_196 {offsets = [11], sizes = [1], strides = [1]} : vector<16xf32> to vector<1xf32>
            %squeeze3A_296 = vector.extract %slice3A_295[0] : f32 from vector<1xf32>
            %get3A_297 = arith.index_cast %add3A_193 : i32 to index
            %get3A_298 = arith.constant 176 : index
            %get3A_299 = tpu.vector_load %arg13[%get3A_297, %get3A_298] {strides = array<i32>} : memref<128x272xf32, #tpu.memory_space<vmem>>, vector<1x16xf32>,
            %get3A_300 = vector.shape_cast %get3A_299 : vector<1x16xf32> to vector<16xf32>
            %mul3A_301 = vector.broadcast %squeeze3A_296 : f32 to vector<16xf32>
            %mul3A_302 = arith.mulf %mul3A_301, %get3A_300 : vector<16xf32>
            %add3A_303 = arith.addf %add3A_267, %mul3A_302 : vector<16xf32>
            %slice3A_304 = vector.extract_strided_slice %get3A_196 {offsets = [12], sizes = [1], strides = [1]} : vector<16xf32> to vector<1xf32>
            %squeeze3A_305 = vector.extract %slice3A_304[0] : f32 from vector<1xf32>
            %get3A_306 = arith.index_cast %add3A_193 : i32 to index
            %get3A_307 = arith.constant 192 : index
            %get3A_308 = tpu.vector_load %arg13[%get3A_306, %get3A_307] {strides = array<i32>} : memref<128x272xf32, #tpu.memory_space<vmem>>, vector<1x16xf32>,
            %get3A_309 = vector.shape_cast %get3A_308 : vector<1x16xf32> to vector<16xf32>
            %mul3A_310 = vector.broadcast %squeeze3A_305 : f32 to vector<16xf32>
            %mul3A_311 = arith.mulf %mul3A_310, %get3A_309 : vector<16xf32>
            %add3A_312 = arith.addf %add3A_276, %mul3A_311 : vector<16xf32>
            %slice3A_313 = vector.extract_strided_slice %get3A_196 {offsets = [13], sizes = [1], strides = [1]} : vector<16xf32> to vector<1xf32>
            %squeeze3A_314 = vector.extract %slice3A_313[0] : f32 from vector<1xf32>
            %get3A_315 = arith.index_cast %add3A_193 : i32 to index
            %get3A_316 = arith.constant 208 : index
            %get3A_317 = tpu.vector_load %arg13[%get3A_315, %get3A_316] {strides = array<i32>} : memref<128x272xf32, #tpu.memory_space<vmem>>, vector<1x16xf32>,
            %get3A_318 = vector.shape_cast %get3A_317 : vector<1x16xf32> to vector<16xf32>
            %mul3A_319 = vector.broadcast %squeeze3A_314 : f32 to vector<16xf32>
            %mul3A_320 = arith.mulf %mul3A_319, %get3A_318 : vector<16xf32>
            %add3A_321 = arith.addf %add3A_285, %mul3A_320 : vector<16xf32>
            %slice3A_322 = vector.extract_strided_slice %get3A_196 {offsets = [14], sizes = [1], strides = [1]} : vector<16xf32> to vector<1xf32>
            %squeeze3A_323 = vector.extract %slice3A_322[0] : f32 from vector<1xf32>
            %get3A_324 = arith.index_cast %add3A_193 : i32 to index
            %get3A_325 = arith.constant 224 : index
            %get3A_326 = tpu.vector_load %arg13[%get3A_324, %get3A_325] {strides = array<i32>} : memref<128x272xf32, #tpu.memory_space<vmem>>, vector<1x16xf32>,
            %get3A_327 = vector.shape_cast %get3A_326 : vector<1x16xf32> to vector<16xf32>
            %mul3A_328 = vector.broadcast %squeeze3A_323 : f32 to vector<16xf32>
            %mul3A_329 = arith.mulf %mul3A_328, %get3A_327 : vector<16xf32>
            %add3A_330 = arith.addf %add3A_294, %mul3A_329 : vector<16xf32>
            %slice3A_331 = vector.extract_strided_slice %get3A_196 {offsets = [15], sizes = [1], strides = [1]} : vector<16xf32> to vector<1xf32>
            %squeeze3A_332 = vector.extract %slice3A_331[0] : f32 from vector<1xf32>
            %get3A_333 = arith.index_cast %add3A_193 : i32 to index
            %get3A_334 = arith.constant 240 : index
            %get3A_335 = tpu.vector_load %arg13[%get3A_333, %get3A_334] {strides = array<i32>} : memref<128x272xf32, #tpu.memory_space<vmem>>, vector<1x16xf32>,
            %get3A_336 = vector.shape_cast %get3A_335 : vector<1x16xf32> to vector<16xf32>
            %mul3A_337 = vector.broadcast %squeeze3A_332 : f32 to vector<16xf32>
            %mul3A_338 = arith.mulf %mul3A_337, %get3A_336 : vector<16xf32>
            %add3A_339 = arith.addf %add3A_303, %mul3A_338 : vector<16xf32>
            %add3A_340 = arith.addf %add3A_312, %add3A_321 : vector<16xf32>
            %add3A_341 = arith.addf %add3A_330, %add3A_339 : vector<16xf32>
            %add3A_342 = arith.addf %add3A_340, %add3A_341 : vector<16xf32>
            %swap3A = arith.index_cast %add3A_193 : i32 to index
            %swap3A_343 = arith.constant 0 : index
            %swap3A_344 = tpu.vector_load %arg17[%swap3A, %swap3A_343] {strides = array<i32>} : memref<128x16xf32, #tpu.memory_space<vmem>>, vector<1x16xf32>,
            %swap3A_345 = vector.shape_cast %swap3A_344 : vector<1x16xf32> to vector<16xf32>
            %swap3A_346 = vector.shape_cast %add3A_342 : vector<16xf32> to vector<1x16xf32>
            tpu.vector_store %arg17[%swap3A, %swap3A_343], %swap3A_346 {strides = array<i32>} : memref<128x16xf32, #tpu.memory_space<vmem>>, vector<1x16xf32>,
          }
          %scan3A_169 = arith.constant 128 : i32
          %add3A_170 = arith.constant 2 : i32
          %add3A_171 = arith.addi %add3A_135, %add3A_170 : i32
          %lt3A_172 = arith.constant 40 : i32
          %lt3A_173 = arith.cmpi slt, %add3A_171, %lt3A_172 : i32
          %convert_element_type3A_174 = arith.extui %lt3A_173 : i1 to i32
          %cond3A_175 = arith.constant 0 : i32
          %cond3A_176 = arith.cmpi ne, %convert_element_type3A_174, %cond3A_175 : i32
          scf.if %cond3A_176 {
            %add3A_189 = arith.constant 2 : i32
            %add3A_190 = arith.addi %add3A_135, %add3A_189 : i32
            %mul3A_191 = arith.constant 128 : i32
            %mul3A_192 = arith.muli %add3A_190, %mul3A_191 : i32
            %add3A_193 = arith.addi %mul3A_2, %mul3A_192 : i32
            %dma_start3A_194 = arith.constant 0 : i32
            %dma_start3A_195 = tpu.memref_slice %arg3[%add3A_193, %dma_start3A_194] : memref<160000x16xf32, #tpu.memory_space<hbm>> -> memref<128x16xf32, #tpu.memory_space<hbm>>
            %dma_start3A_196 = arith.constant 0 : i32
            %dma_start3A_197 = tpu.memref_slice %arg3[%add3A_193, %dma_start3A_196] : memref<160000x16xf32, #tpu.memory_space<hbm>> -> memref<128x16xf32, #tpu.memory_space<hbm>>
            tpu.enqueue_dma source(%dma_start3A_197 : memref<128x16xf32, #tpu.memory_space<hbm>>) target(%arg15 : memref<128x16xf32, #tpu.memory_space<vmem>>) target_semaphore(%arg23 : memref<!tpu.dma_semaphore, #tpu.memory_space<semaphore_mem>>)
            %dma_start3A_198 = arith.constant 0 : i32
            %dma_start3A_199 = tpu.memref_slice %arg11[%add3A_190, %dma_start3A_198] : memref<40x128xi32, #tpu.memory_space<vmem>> -> memref<1x128xi32, #tpu.memory_space<vmem>>
            %dma_start3A_200 = tpu.memref_squeeze %dma_start3A_199 : memref<1x128xi32, #tpu.memory_space<vmem>> -> memref<128xi32, #tpu.memory_space<vmem>>
            %dma_start3A_201 = arith.constant 0 : i32
            %dma_start3A_202 = arith.constant 0 : i32
            %dma_start3A_203 = tpu.memref_slice %arg2[%dma_start3A_201, %dma_start3A_202] : memref<10000x272xf32, #tpu.memory_space<hbm>> -> memref<10000x272xf32, #tpu.memory_space<hbm>>
            tpu.enqueue_indirect_dma source(%dma_start3A_203 : memref<10000x272xf32, #tpu.memory_space<hbm>>) target(%arg13 : memref<128x272xf32, #tpu.memory_space<vmem>>) offsets(%dma_start3A_200 : memref<128xi32, #tpu.memory_space<vmem>>) semaphore(%arg21 : memref<!tpu.dma_semaphore, #tpu.memory_space<semaphore_mem>>)
          } else {
          }
          %dma_start3A_177 = arith.constant 0 : i32
          %dma_start3A_178 = tpu.memref_slice %arg12[%add3A_135, %dma_start3A_177] : memref<40x128xi32, #tpu.memory_space<vmem>> -> memref<1x128xi32, #tpu.memory_space<vmem>>
          %dma_start3A_179 = tpu.memref_squeeze %dma_start3A_178 : memref<1x128xi32, #tpu.memory_space<vmem>> -> memref<128xi32, #tpu.memory_space<vmem>>
          %dma_start3A_180 = arith.constant 0 : i32
          %dma_start3A_181 = arith.constant 0 : i32
          %dma_start3A_182 = tpu.memref_slice %arg9[%dma_start3A_180, %dma_start3A_181] : memref<10112x16xf32, #tpu.memory_space<vmem_shared>> -> memref<10112x16xf32, #tpu.memory_space<vmem_shared>>
          tpu.enqueue_indirect_dma source(%arg17 : memref<128x16xf32, #tpu.memory_space<vmem>>) target(%dma_start3A_182 : memref<10112x16xf32, #tpu.memory_space<vmem_shared>>) offsets(%dma_start3A_179 : memref<128xi32, #tpu.memory_space<vmem>>) semaphore(%arg25 : memref<!tpu.dma_semaphore, #tpu.memory_space<semaphore_mem>>) {add = true}
          %dma_start3A_183 = arith.constant 0 : i32
          %dma_start3A_184 = tpu.memref_slice %arg12[%add3A_135, %dma_start3A_183] : memref<40x128xi32, #tpu.memory_space<vmem>> -> memref<1x128xi32, #tpu.memory_space<vmem>>
          %dma_start3A_185 = tpu.memref_squeeze %dma_start3A_184 : memref<1x128xi32, #tpu.memory_space<vmem>> -> memref<128xi32, #tpu.memory_space<vmem>>
          %dma_start3A_186 = arith.constant 0 : i32
          %dma_start3A_187 = arith.constant 0 : i32
          %dma_start3A_188 = tpu.memref_slice %arg10[%dma_start3A_186, %dma_start3A_187] : memref<10112x16xf32, #tpu.memory_space<vmem_shared>> -> memref<10112x16xf32, #tpu.memory_space<vmem_shared>>
          tpu.enqueue_indirect_dma source(%arg19 : memref<128x16xf32, #tpu.memory_space<vmem>>) target(%dma_start3A_188 : memref<10112x16xf32, #tpu.memory_space<vmem_shared>>) offsets(%dma_start3A_185 : memref<128xi32, #tpu.memory_space<vmem>>) semaphore(%arg27 : memref<!tpu.dma_semaphore, #tpu.memory_space<semaphore_mem>>) {add = true}
        } else {
        }
        %add3A_141 = arith.constant 1 : i32
        %add3A_142 = arith.addi %add3A_133, %add3A_141 : i32
        %lt3A_143 = arith.constant 40 : i32
        %lt3A_144 = arith.cmpi slt, %add3A_142, %lt3A_143 : i32
        %convert_element_type3A_145 = arith.extui %lt3A_144 : i1 to i32
        %cond3A_146 = arith.constant 0 : i32
        %cond3A_147 = arith.cmpi ne, %convert_element_type3A_145, %cond3A_146 : i32
        scf.if %cond3A_147 {
          %mul3A_148 = arith.constant 128 : i32
          %mul3A_149 = arith.muli %add3A_142, %mul3A_148 : i32
          %add3A_150 = arith.addi %mul3A_2, %mul3A_149 : i32
          %dma_wait3A_151 = arith.constant 0 : i32
          %dma_wait3A_152 = tpu.memref_slice %arg3[%add3A_150, %dma_wait3A_151] : memref<160000x16xf32, #tpu.memory_space<hbm>> -> memref<128x16xf32, #tpu.memory_space<hbm>>
          %dma_wait3A_153 = arith.constant 0 : i32
          %dma_wait3A_154 = tpu.memref_slice %arg3[%add3A_150, %dma_wait3A_153] : memref<160000x16xf32, #tpu.memory_space<hbm>> -> memref<128x16xf32, #tpu.memory_space<hbm>>
          tpu.wait_dma2 semaphore(%arg24 : memref<!tpu.dma_semaphore, #tpu.memory_space<semaphore_mem>>) src(%dma_wait3A_154 : memref<128x16xf32, #tpu.memory_space<hbm>>) dst(%arg16 : memref<128x16xf32, #tpu.memory_space<vmem>>)
          %dma_wait3A_155 = arith.constant 0 : i32
          %dma_wait3A_156 = tpu.memref_slice %arg11[%add3A_142, %dma_wait3A_155] : memref<40x128xi32, #tpu.memory_space<vmem>> -> memref<1x128xi32, #tpu.memory_space<vmem>>
          %dma_wait3A_157 = tpu.memref_squeeze %dma_wait3A_156 : memref<1x128xi32, #tpu.memory_space<vmem>> -> memref<128xi32, #tpu.memory_space<vmem>>
          %dma_wait3A_158 = arith.constant 0 : i32
          %dma_wait3A_159 = arith.constant 0 : i32
          %dma_wait3A_160 = tpu.memref_slice %arg2[%dma_wait3A_158, %dma_wait3A_159] : memref<10000x272xf32, #tpu.memory_space<hbm>> -> memref<10000x272xf32, #tpu.memory_space<hbm>>
          tpu.wait_indirect_dma semaphore(%arg22 : memref<!tpu.dma_semaphore, #tpu.memory_space<semaphore_mem>>) src(%dma_wait3A_160 : memref<10000x272xf32, #tpu.memory_space<hbm>>) dst(%arg14 : memref<128x272xf32, #tpu.memory_space<vmem>>)
          %ge3A = arith.constant 2 : i32
          %ge3A_161 = arith.cmpi sge, %add3A_142, %ge3A : i32
          %convert_element_type3A_162 = arith.extui %ge3A_161 : i1 to i32
          %cond3A_163 = arith.constant 0 : i32
          %cond3A_164 = arith.cmpi ne, %convert_element_type3A_162, %cond3A_163 : i32
          scf.if %cond3A_164 {
            %dma_wait3A_189 = arith.constant 0 : i32
            %dma_wait3A_190 = tpu.memref_slice %arg12[%add3A_142, %dma_wait3A_189] : memref<40x128xi32, #tpu.memory_space<vmem>> -> memref<1x128xi32, #tpu.memory_space<vmem>>
            %dma_wait3A_191 = tpu.memref_squeeze %dma_wait3A_190 : memref<1x128xi32, #tpu.memory_space<vmem>> -> memref<128xi32, #tpu.memory_space<vmem>>
            %dma_wait3A_192 = arith.constant 0 : i32
            %dma_wait3A_193 = arith.constant 0 : i32
            %dma_wait3A_194 = tpu.memref_slice %arg9[%dma_wait3A_192, %dma_wait3A_193] : memref<10112x16xf32, #tpu.memory_space<vmem_shared>> -> memref<10112x16xf32, #tpu.memory_space<vmem_shared>>
            tpu.wait_indirect_dma semaphore(%arg26 : memref<!tpu.dma_semaphore, #tpu.memory_space<semaphore_mem>>) src(%arg18 : memref<128x16xf32, #tpu.memory_space<vmem>>) dst(%dma_wait3A_194 : memref<10112x16xf32, #tpu.memory_space<vmem_shared>>)
          } else {
          }
          %scan3A_165 = arith.constant 0 : i32
          %scan3A_166 = arith.constant 128 : i32
          %scan3A_167 = arith.addi %scan3A_165, %scan3A_166 : i32
          %scan3A_168 = arith.constant 1 : i32
          scf.for %scan3A_189 = %scan3A_165 to %scan3A_167 step %scan3A_168  : i32 {
            %mul3A_190 = arith.constant 1 : i32
            %mul3A_191 = arith.muli %scan3A_189, %mul3A_190 : i32
            %add3A_192 = arith.constant 0 : i32
            %add3A_193 = arith.addi %add3A_192, %mul3A_191 : i32
            %get3A = arith.index_cast %add3A_193 : i32 to index
            %get3A_194 = arith.constant 0 : index
            %get3A_195 = tpu.vector_load %arg16[%get3A, %get3A_194] {strides = array<i32>} : memref<128x16xf32, #tpu.memory_space<vmem>>, vector<1x16xf32>,
            %get3A_196 = vector.shape_cast %get3A_195 : vector<1x16xf32> to vector<16xf32>
            %get3A_197 = arith.index_cast %add3A_193 : i32 to index
            %get3A_198 = arith.constant 256 : index
            %get3A_199 = tpu.vector_load %arg14[%get3A_197, %get3A_198] {strides = array<i32>} : memref<128x272xf32, #tpu.memory_space<vmem>>, vector<1x16xf32>,
            %get3A_200 = vector.shape_cast %get3A_199 : vector<1x16xf32> to vector<16xf32>
            %slice3A = vector.extract_strided_slice %get3A_196 {offsets = [0], sizes = [1], strides = [1]} : vector<16xf32> to vector<1xf32>
            %squeeze3A = vector.extract %slice3A[0] : f32 from vector<1xf32>
            %get3A_201 = arith.index_cast %add3A_193 : i32 to index
            %get3A_202 = arith.constant 0 : index
            %get3A_203 = tpu.vector_load %arg14[%get3A_201, %get3A_202] {strides = array<i32>} : memref<128x272xf32, #tpu.memory_space<vmem>>, vector<1x16xf32>,
            %get3A_204 = vector.shape_cast %get3A_203 : vector<1x16xf32> to vector<16xf32>
            %mul3A_205 = vector.broadcast %squeeze3A : f32 to vector<16xf32>
            %mul3A_206 = arith.mulf %mul3A_205, %get3A_204 : vector<16xf32>
            %add3A_207 = arith.addf %get3A_200, %mul3A_206 : vector<16xf32>
            %slice3A_208 = vector.extract_strided_slice %get3A_196 {offsets = [1], sizes = [1], strides = [1]} : vector<16xf32> to vector<1xf32>
            %squeeze3A_209 = vector.extract %slice3A_208[0] : f32 from vector<1xf32>
            %get3A_210 = arith.index_cast %add3A_193 : i32 to index
            %get3A_211 = arith.constant 16 : index
            %get3A_212 = tpu.vector_load %arg14[%get3A_210, %get3A_211] {strides = array<i32>} : memref<128x272xf32, #tpu.memory_space<vmem>>, vector<1x16xf32>,
            %get3A_213 = vector.shape_cast %get3A_212 : vector<1x16xf32> to vector<16xf32>
            %mul3A_214 = vector.broadcast %squeeze3A_209 : f32 to vector<16xf32>
            %mul3A_215 = arith.mulf %mul3A_214, %get3A_213 : vector<16xf32>
            %slice3A_216 = vector.extract_strided_slice %get3A_196 {offsets = [2], sizes = [1], strides = [1]} : vector<16xf32> to vector<1xf32>
            %squeeze3A_217 = vector.extract %slice3A_216[0] : f32 from vector<1xf32>
            %get3A_218 = arith.index_cast %add3A_193 : i32 to index
            %get3A_219 = arith.constant 32 : index
            %get3A_220 = tpu.vector_load %arg14[%get3A_218, %get3A_219] {strides = array<i32>} : memref<128x272xf32, #tpu.memory_space<vmem>>, vector<1x16xf32>,
            %get3A_221 = vector.shape_cast %get3A_220 : vector<1x16xf32> to vector<16xf32>
            %mul3A_222 = vector.broadcast %squeeze3A_217 : f32 to vector<16xf32>
            %mul3A_223 = arith.mulf %mul3A_222, %get3A_221 : vector<16xf32>
            %slice3A_224 = vector.extract_strided_slice %get3A_196 {offsets = [3], sizes = [1], strides = [1]} : vector<16xf32> to vector<1xf32>
            %squeeze3A_225 = vector.extract %slice3A_224[0] : f32 from vector<1xf32>
            %get3A_226 = arith.index_cast %add3A_193 : i32 to index
            %get3A_227 = arith.constant 48 : index
            %get3A_228 = tpu.vector_load %arg14[%get3A_226, %get3A_227] {strides = array<i32>} : memref<128x272xf32, #tpu.memory_space<vmem>>, vector<1x16xf32>,
            %get3A_229 = vector.shape_cast %get3A_228 : vector<1x16xf32> to vector<16xf32>
            %mul3A_230 = vector.broadcast %squeeze3A_225 : f32 to vector<16xf32>
            %mul3A_231 = arith.mulf %mul3A_230, %get3A_229 : vector<16xf32>
            %slice3A_232 = vector.extract_strided_slice %get3A_196 {offsets = [4], sizes = [1], strides = [1]} : vector<16xf32> to vector<1xf32>
            %squeeze3A_233 = vector.extract %slice3A_232[0] : f32 from vector<1xf32>
            %get3A_234 = arith.index_cast %add3A_193 : i32 to index
            %get3A_235 = arith.constant 64 : index
            %get3A_236 = tpu.vector_load %arg14[%get3A_234, %get3A_235] {strides = array<i32>} : memref<128x272xf32, #tpu.memory_space<vmem>>, vector<1x16xf32>,
            %get3A_237 = vector.shape_cast %get3A_236 : vector<1x16xf32> to vector<16xf32>
            %mul3A_238 = vector.broadcast %squeeze3A_233 : f32 to vector<16xf32>
            %mul3A_239 = arith.mulf %mul3A_238, %get3A_237 : vector<16xf32>
            %add3A_240 = arith.addf %add3A_207, %mul3A_239 : vector<16xf32>
            %slice3A_241 = vector.extract_strided_slice %get3A_196 {offsets = [5], sizes = [1], strides = [1]} : vector<16xf32> to vector<1xf32>
            %squeeze3A_242 = vector.extract %slice3A_241[0] : f32 from vector<1xf32>
            %get3A_243 = arith.index_cast %add3A_193 : i32 to index
            %get3A_244 = arith.constant 80 : index
            %get3A_245 = tpu.vector_load %arg14[%get3A_243, %get3A_244] {strides = array<i32>} : memref<128x272xf32, #tpu.memory_space<vmem>>, vector<1x16xf32>,
            %get3A_246 = vector.shape_cast %get3A_245 : vector<1x16xf32> to vector<16xf32>
            %mul3A_247 = vector.broadcast %squeeze3A_242 : f32 to vector<16xf32>
            %mul3A_248 = arith.mulf %mul3A_247, %get3A_246 : vector<16xf32>
            %add3A_249 = arith.addf %mul3A_215, %mul3A_248 : vector<16xf32>
            %slice3A_250 = vector.extract_strided_slice %get3A_196 {offsets = [6], sizes = [1], strides = [1]} : vector<16xf32> to vector<1xf32>
            %squeeze3A_251 = vector.extract %slice3A_250[0] : f32 from vector<1xf32>
            %get3A_252 = arith.index_cast %add3A_193 : i32 to index
            %get3A_253 = arith.constant 96 : index
            %get3A_254 = tpu.vector_load %arg14[%get3A_252, %get3A_253] {strides = array<i32>} : memref<128x272xf32, #tpu.memory_space<vmem>>, vector<1x16xf32>,
            %get3A_255 = vector.shape_cast %get3A_254 : vector<1x16xf32> to vector<16xf32>
            %mul3A_256 = vector.broadcast %squeeze3A_251 : f32 to vector<16xf32>
            %mul3A_257 = arith.mulf %mul3A_256, %get3A_255 : vector<16xf32>
            %add3A_258 = arith.addf %mul3A_223, %mul3A_257 : vector<16xf32>
            %slice3A_259 = vector.extract_strided_slice %get3A_196 {offsets = [7], sizes = [1], strides = [1]} : vector<16xf32> to vector<1xf32>
            %squeeze3A_260 = vector.extract %slice3A_259[0] : f32 from vector<1xf32>
            %get3A_261 = arith.index_cast %add3A_193 : i32 to index
            %get3A_262 = arith.constant 112 : index
            %get3A_263 = tpu.vector_load %arg14[%get3A_261, %get3A_262] {strides = array<i32>} : memref<128x272xf32, #tpu.memory_space<vmem>>, vector<1x16xf32>,
            %get3A_264 = vector.shape_cast %get3A_263 : vector<1x16xf32> to vector<16xf32>
            %mul3A_265 = vector.broadcast %squeeze3A_260 : f32 to vector<16xf32>
            %mul3A_266 = arith.mulf %mul3A_265, %get3A_264 : vector<16xf32>
            %add3A_267 = arith.addf %mul3A_231, %mul3A_266 : vector<16xf32>
            %slice3A_268 = vector.extract_strided_slice %get3A_196 {offsets = [8], sizes = [1], strides = [1]} : vector<16xf32> to vector<1xf32>
            %squeeze3A_269 = vector.extract %slice3A_268[0] : f32 from vector<1xf32>
            %get3A_270 = arith.index_cast %add3A_193 : i32 to index
            %get3A_271 = arith.constant 128 : index
            %get3A_272 = tpu.vector_load %arg14[%get3A_270, %get3A_271] {strides = array<i32>} : memref<128x272xf32, #tpu.memory_space<vmem>>, vector<1x16xf32>,
            %get3A_273 = vector.shape_cast %get3A_272 : vector<1x16xf32> to vector<16xf32>
            %mul3A_274 = vector.broadcast %squeeze3A_269 : f32 to vector<16xf32>
            %mul3A_275 = arith.mulf %mul3A_274, %get3A_273 : vector<16xf32>
            %add3A_276 = arith.addf %add3A_240, %mul3A_275 : vector<16xf32>
            %slice3A_277 = vector.extract_strided_slice %get3A_196 {offsets = [9], sizes = [1], strides = [1]} : vector<16xf32> to vector<1xf32>
            %squeeze3A_278 = vector.extract %slice3A_277[0] : f32 from vector<1xf32>
            %get3A_279 = arith.index_cast %add3A_193 : i32 to index
            %get3A_280 = arith.constant 144 : index
            %get3A_281 = tpu.vector_load %arg14[%get3A_279, %get3A_280] {strides = array<i32>} : memref<128x272xf32, #tpu.memory_space<vmem>>, vector<1x16xf32>,
            %get3A_282 = vector.shape_cast %get3A_281 : vector<1x16xf32> to vector<16xf32>
            %mul3A_283 = vector.broadcast %squeeze3A_278 : f32 to vector<16xf32>
            %mul3A_284 = arith.mulf %mul3A_283, %get3A_282 : vector<16xf32>
            %add3A_285 = arith.addf %add3A_249, %mul3A_284 : vector<16xf32>
            %slice3A_286 = vector.extract_strided_slice %get3A_196 {offsets = [10], sizes = [1], strides = [1]} : vector<16xf32> to vector<1xf32>
            %squeeze3A_287 = vector.extract %slice3A_286[0] : f32 from vector<1xf32>
            %get3A_288 = arith.index_cast %add3A_193 : i32 to index
            %get3A_289 = arith.constant 160 : index
            %get3A_290 = tpu.vector_load %arg14[%get3A_288, %get3A_289] {strides = array<i32>} : memref<128x272xf32, #tpu.memory_space<vmem>>, vector<1x16xf32>,
            %get3A_291 = vector.shape_cast %get3A_290 : vector<1x16xf32> to vector<16xf32>
            %mul3A_292 = vector.broadcast %squeeze3A_287 : f32 to vector<16xf32>
            %mul3A_293 = arith.mulf %mul3A_292, %get3A_291 : vector<16xf32>
            %add3A_294 = arith.addf %add3A_258, %mul3A_293 : vector<16xf32>
            %slice3A_295 = vector.extract_strided_slice %get3A_196 {offsets = [11], sizes = [1], strides = [1]} : vector<16xf32> to vector<1xf32>
            %squeeze3A_296 = vector.extract %slice3A_295[0] : f32 from vector<1xf32>
            %get3A_297 = arith.index_cast %add3A_193 : i32 to index
            %get3A_298 = arith.constant 176 : index
            %get3A_299 = tpu.vector_load %arg14[%get3A_297, %get3A_298] {strides = array<i32>} : memref<128x272xf32, #tpu.memory_space<vmem>>, vector<1x16xf32>,
            %get3A_300 = vector.shape_cast %get3A_299 : vector<1x16xf32> to vector<16xf32>
            %mul3A_301 = vector.broadcast %squeeze3A_296 : f32 to vector<16xf32>
            %mul3A_302 = arith.mulf %mul3A_301, %get3A_300 : vector<16xf32>
            %add3A_303 = arith.addf %add3A_267, %mul3A_302 : vector<16xf32>
            %slice3A_304 = vector.extract_strided_slice %get3A_196 {offsets = [12], sizes = [1], strides = [1]} : vector<16xf32> to vector<1xf32>
            %squeeze3A_305 = vector.extract %slice3A_304[0] : f32 from vector<1xf32>
            %get3A_306 = arith.index_cast %add3A_193 : i32 to index
            %get3A_307 = arith.constant 192 : index
            %get3A_308 = tpu.vector_load %arg14[%get3A_306, %get3A_307] {strides = array<i32>} : memref<128x272xf32, #tpu.memory_space<vmem>>, vector<1x16xf32>,
            %get3A_309 = vector.shape_cast %get3A_308 : vector<1x16xf32> to vector<16xf32>
            %mul3A_310 = vector.broadcast %squeeze3A_305 : f32 to vector<16xf32>
            %mul3A_311 = arith.mulf %mul3A_310, %get3A_309 : vector<16xf32>
            %add3A_312 = arith.addf %add3A_276, %mul3A_311 : vector<16xf32>
            %slice3A_313 = vector.extract_strided_slice %get3A_196 {offsets = [13], sizes = [1], strides = [1]} : vector<16xf32> to vector<1xf32>
            %squeeze3A_314 = vector.extract %slice3A_313[0] : f32 from vector<1xf32>
            %get3A_315 = arith.index_cast %add3A_193 : i32 to index
            %get3A_316 = arith.constant 208 : index
            %get3A_317 = tpu.vector_load %arg14[%get3A_315, %get3A_316] {strides = array<i32>} : memref<128x272xf32, #tpu.memory_space<vmem>>, vector<1x16xf32>,
            %get3A_318 = vector.shape_cast %get3A_317 : vector<1x16xf32> to vector<16xf32>
            %mul3A_319 = vector.broadcast %squeeze3A_314 : f32 to vector<16xf32>
            %mul3A_320 = arith.mulf %mul3A_319, %get3A_318 : vector<16xf32>
            %add3A_321 = arith.addf %add3A_285, %mul3A_320 : vector<16xf32>
            %slice3A_322 = vector.extract_strided_slice %get3A_196 {offsets = [14], sizes = [1], strides = [1]} : vector<16xf32> to vector<1xf32>
            %squeeze3A_323 = vector.extract %slice3A_322[0] : f32 from vector<1xf32>
            %get3A_324 = arith.index_cast %add3A_193 : i32 to index
            %get3A_325 = arith.constant 224 : index
            %get3A_326 = tpu.vector_load %arg14[%get3A_324, %get3A_325] {strides = array<i32>} : memref<128x272xf32, #tpu.memory_space<vmem>>, vector<1x16xf32>,
            %get3A_327 = vector.shape_cast %get3A_326 : vector<1x16xf32> to vector<16xf32>
            %mul3A_328 = vector.broadcast %squeeze3A_323 : f32 to vector<16xf32>
            %mul3A_329 = arith.mulf %mul3A_328, %get3A_327 : vector<16xf32>
            %add3A_330 = arith.addf %add3A_294, %mul3A_329 : vector<16xf32>
            %slice3A_331 = vector.extract_strided_slice %get3A_196 {offsets = [15], sizes = [1], strides = [1]} : vector<16xf32> to vector<1xf32>
            %squeeze3A_332 = vector.extract %slice3A_331[0] : f32 from vector<1xf32>
            %get3A_333 = arith.index_cast %add3A_193 : i32 to index
            %get3A_334 = arith.constant 240 : index
            %get3A_335 = tpu.vector_load %arg14[%get3A_333, %get3A_334] {strides = array<i32>} : memref<128x272xf32, #tpu.memory_space<vmem>>, vector<1x16xf32>,
            %get3A_336 = vector.shape_cast %get3A_335 : vector<1x16xf32> to vector<16xf32>
            %mul3A_337 = vector.broadcast %squeeze3A_332 : f32 to vector<16xf32>
            %mul3A_338 = arith.mulf %mul3A_337, %get3A_336 : vector<16xf32>
            %add3A_339 = arith.addf %add3A_303, %mul3A_338 : vector<16xf32>
            %add3A_340 = arith.addf %add3A_312, %add3A_321 : vector<16xf32>
            %add3A_341 = arith.addf %add3A_330, %add3A_339 : vector<16xf32>
            %add3A_342 = arith.addf %add3A_340, %add3A_341 : vector<16xf32>
            %swap3A = arith.index_cast %add3A_193 : i32 to index
            %swap3A_343 = arith.constant 0 : index
            %swap3A_344 = tpu.vector_load %arg18[%swap3A, %swap3A_343] {strides = array<i32>} : memref<128x16xf32, #tpu.memory_space<vmem>>, vector<1x16xf32>,
            %swap3A_345 = vector.shape_cast %swap3A_344 : vector<1x16xf32> to vector<16xf32>
            %swap3A_346 = vector.shape_cast %add3A_342 : vector<16xf32> to vector<1x16xf32>
            tpu.vector_store %arg18[%swap3A, %swap3A_343], %swap3A_346 {strides = array<i32>} : memref<128x16xf32, #tpu.memory_space<vmem>>, vector<1x16xf32>,
          }
          %scan3A_169 = arith.constant 128 : i32
          %add3A_170 = arith.constant 2 : i32
          %add3A_171 = arith.addi %add3A_142, %add3A_170 : i32
          %lt3A_172 = arith.constant 40 : i32
          %lt3A_173 = arith.cmpi slt, %add3A_171, %lt3A_172 : i32
          %convert_element_type3A_174 = arith.extui %lt3A_173 : i1 to i32
          %cond3A_175 = arith.constant 0 : i32
          %cond3A_176 = arith.cmpi ne, %convert_element_type3A_174, %cond3A_175 : i32
          scf.if %cond3A_176 {
            %add3A_189 = arith.constant 2 : i32
            %add3A_190 = arith.addi %add3A_142, %add3A_189 : i32
            %mul3A_191 = arith.constant 128 : i32
            %mul3A_192 = arith.muli %add3A_190, %mul3A_191 : i32
            %add3A_193 = arith.addi %mul3A_2, %mul3A_192 : i32
            %dma_start3A_194 = arith.constant 0 : i32
            %dma_start3A_195 = tpu.memref_slice %arg3[%add3A_193, %dma_start3A_194] : memref<160000x16xf32, #tpu.memory_space<hbm>> -> memref<128x16xf32, #tpu.memory_space<hbm>>
            %dma_start3A_196 = arith.constant 0 : i32
            %dma_start3A_197 = tpu.memref_slice %arg3[%add3A_193, %dma_start3A_196] : memref<160000x16xf32, #tpu.memory_space<hbm>> -> memref<128x16xf32, #tpu.memory_space<hbm>>
            tpu.enqueue_dma source(%dma_start3A_197 : memref<128x16xf32, #tpu.memory_space<hbm>>) target(%arg16 : memref<128x16xf32, #tpu.memory_space<vmem>>) target_semaphore(%arg24 : memref<!tpu.dma_semaphore, #tpu.memory_space<semaphore_mem>>)
            %dma_start3A_198 = arith.constant 0 : i32
            %dma_start3A_199 = tpu.memref_slice %arg11[%add3A_190, %dma_start3A_198] : memref<40x128xi32, #tpu.memory_space<vmem>> -> memref<1x128xi32, #tpu.memory_space<vmem>>
            %dma_start3A_200 = tpu.memref_squeeze %dma_start3A_199 : memref<1x128xi32, #tpu.memory_space<vmem>> -> memref<128xi32, #tpu.memory_space<vmem>>
            %dma_start3A_201 = arith.constant 0 : i32
            %dma_start3A_202 = arith.constant 0 : i32
            %dma_start3A_203 = tpu.memref_slice %arg2[%dma_start3A_201, %dma_start3A_202] : memref<10000x272xf32, #tpu.memory_space<hbm>> -> memref<10000x272xf32, #tpu.memory_space<hbm>>
            tpu.enqueue_indirect_dma source(%dma_start3A_203 : memref<10000x272xf32, #tpu.memory_space<hbm>>) target(%arg14 : memref<128x272xf32, #tpu.memory_space<vmem>>) offsets(%dma_start3A_200 : memref<128xi32, #tpu.memory_space<vmem>>) semaphore(%arg22 : memref<!tpu.dma_semaphore, #tpu.memory_space<semaphore_mem>>)
          } else {
          }
          %dma_start3A_177 = arith.constant 0 : i32
          %dma_start3A_178 = tpu.memref_slice %arg12[%add3A_142, %dma_start3A_177] : memref<40x128xi32, #tpu.memory_space<vmem>> -> memref<1x128xi32, #tpu.memory_space<vmem>>
          %dma_start3A_179 = tpu.memref_squeeze %dma_start3A_178 : memref<1x128xi32, #tpu.memory_space<vmem>> -> memref<128xi32, #tpu.memory_space<vmem>>
          %dma_start3A_180 = arith.constant 0 : i32
          %dma_start3A_181 = arith.constant 0 : i32
          %dma_start3A_182 = tpu.memref_slice %arg9[%dma_start3A_180, %dma_start3A_181] : memref<10112x16xf32, #tpu.memory_space<vmem_shared>> -> memref<10112x16xf32, #tpu.memory_space<vmem_shared>>
          tpu.enqueue_indirect_dma source(%arg18 : memref<128x16xf32, #tpu.memory_space<vmem>>) target(%dma_start3A_182 : memref<10112x16xf32, #tpu.memory_space<vmem_shared>>) offsets(%dma_start3A_179 : memref<128xi32, #tpu.memory_space<vmem>>) semaphore(%arg26 : memref<!tpu.dma_semaphore, #tpu.memory_space<semaphore_mem>>) {add = true}
          %dma_start3A_183 = arith.constant 0 : i32
          %dma_start3A_184 = tpu.memref_slice %arg12[%add3A_142, %dma_start3A_183] : memref<40x128xi32, #tpu.memory_space<vmem>> -> memref<1x128xi32, #tpu.memory_space<vmem>>
          %dma_start3A_185 = tpu.memref_squeeze %dma_start3A_184 : memref<1x128xi32, #tpu.memory_space<vmem>> -> memref<128xi32, #tpu.memory_space<vmem>>
          %dma_start3A_186 = arith.constant 0 : i32
          %dma_start3A_187 = arith.constant 0 : i32
          %dma_start3A_188 = tpu.memref_slice %arg10[%dma_start3A_186, %dma_start3A_187] : memref<10112x16xf32, #tpu.memory_space<vmem_shared>> -> memref<10112x16xf32, #tpu.memory_space<vmem_shared>>
          tpu.enqueue_indirect_dma source(%arg19 : memref<128x16xf32, #tpu.memory_space<vmem>>) target(%dma_start3A_188 : memref<10112x16xf32, #tpu.memory_space<vmem_shared>>) offsets(%dma_start3A_185 : memref<128xi32, #tpu.memory_space<vmem>>) semaphore(%arg27 : memref<!tpu.dma_semaphore, #tpu.memory_space<semaphore_mem>>) {add = true}
        } else {
        }
      }
      %scan3A_109 = arith.constant 20 : i32
      %dma_wait3A_110 = arith.constant 0 : i32
      %dma_wait3A_111 = arith.constant 0 : i32
      %dma_wait3A_112 = tpu.memref_slice %arg12[%dma_wait3A_110, %dma_wait3A_111] : memref<40x128xi32, #tpu.memory_space<vmem>> -> memref<1x128xi32, #tpu.memory_space<vmem>>
      %dma_wait3A_113 = tpu.memref_squeeze %dma_wait3A_112 : memref<1x128xi32, #tpu.memory_space<vmem>> -> memref<128xi32, #tpu.memory_space<vmem>>
      %dma_wait3A_114 = arith.constant 0 : i32
      %dma_wait3A_115 = arith.constant 0 : i32
      %dma_wait3A_116 = tpu.memref_slice %arg9[%dma_wait3A_114, %dma_wait3A_115] : memref<10112x16xf32, #tpu.memory_space<vmem_shared>> -> memref<10112x16xf32, #tpu.memory_space<vmem_shared>>
      tpu.wait_indirect_dma semaphore(%arg26 : memref<!tpu.dma_semaphore, #tpu.memory_space<semaphore_mem>>) src(%arg18 : memref<128x16xf32, #tpu.memory_space<vmem>>) dst(%dma_wait3A_116 : memref<10112x16xf32, #tpu.memory_space<vmem_shared>>)
      %dma_wait3A_117 = arith.constant 0 : i32
      %dma_wait3A_118 = arith.constant 0 : i32
      %dma_wait3A_119 = tpu.memref_slice %arg12[%dma_wait3A_117, %dma_wait3A_118] : memref<40x128xi32, #tpu.memory_space<vmem>> -> memref<1x128xi32, #tpu.memory_space<vmem>>
      %dma_wait3A_120 = tpu.memref_squeeze %dma_wait3A_119 : memref<1x128xi32, #tpu.memory_space<vmem>> -> memref<128xi32, #tpu.memory_space<vmem>>
      %dma_wait3A_121 = arith.constant 0 : i32
      %dma_wait3A_122 = arith.constant 0 : i32
      %dma_wait3A_123 = tpu.memref_slice %arg9[%dma_wait3A_121, %dma_wait3A_122] : memref<10112x16xf32, #tpu.memory_space<vmem_shared>> -> memref<10112x16xf32, #tpu.memory_space<vmem_shared>>
      tpu.wait_indirect_dma semaphore(%arg25 : memref<!tpu.dma_semaphore, #tpu.memory_space<semaphore_mem>>) src(%arg17 : memref<128x16xf32, #tpu.memory_space<vmem>>) dst(%dma_wait3A_123 : memref<10112x16xf32, #tpu.memory_space<vmem_shared>>)
      %scan3A_124 = arith.constant 0 : i32
      %scan3A_125 = arith.constant 40 : i32
      %scan3A_126 = arith.addi %scan3A_124, %scan3A_125 : i32
      %scan3A_127 = arith.constant 1 : i32
      scf.for %scan3A_129 = %scan3A_124 to %scan3A_126 step %scan3A_127  : i32 {
        %mul3A_130 = arith.constant 1 : i32
        %mul3A_131 = arith.muli %scan3A_129, %mul3A_130 : i32
        %add3A_132 = arith.constant 0 : i32
        %add3A_133 = arith.addi %add3A_132, %mul3A_131 : i32
        %dma_wait3A_134 = arith.constant 0 : i32
        %dma_wait3A_135 = arith.constant 0 : i32
        %dma_wait3A_136 = tpu.memref_slice %arg12[%dma_wait3A_134, %dma_wait3A_135] : memref<40x128xi32, #tpu.memory_space<vmem>> -> memref<1x128xi32, #tpu.memory_space<vmem>>
        %dma_wait3A_137 = tpu.memref_squeeze %dma_wait3A_136 : memref<1x128xi32, #tpu.memory_space<vmem>> -> memref<128xi32, #tpu.memory_space<vmem>>
        %dma_wait3A_138 = arith.constant 0 : i32
        %dma_wait3A_139 = arith.constant 0 : i32
        %dma_wait3A_140 = tpu.memref_slice %arg10[%dma_wait3A_138, %dma_wait3A_139] : memref<10112x16xf32, #tpu.memory_space<vmem_shared>> -> memref<10112x16xf32, #tpu.memory_space<vmem_shared>>
        tpu.wait_indirect_dma semaphore(%arg27 : memref<!tpu.dma_semaphore, #tpu.memory_space<semaphore_mem>>) src(%arg19 : memref<128x16xf32, #tpu.memory_space<vmem>>) dst(%dma_wait3A_140 : memref<10112x16xf32, #tpu.memory_space<vmem_shared>>)
      }
      %scan3A_128 = arith.constant 40 : i32
    } else {
    }
    %eq3A = arith.constant 31 : i32
    %eq3A_9 = arith.cmpi eq, %add3A, %eq3A : i32
    %convert_element_type3A_10 = arith.extui %eq3A_9 : i1 to i32
    %cond3A_11 = arith.constant 0 : i32
    %cond3A_12 = arith.cmpi ne, %convert_element_type3A_10, %cond3A_11 : i32
    scf.if %cond3A_12 {
      %mul3A_22 = arith.constant 40 : i32
      %mul3A_23 = arith.muli %add3A, %mul3A_22 : i32
      %dma_start3A = arith.constant 0 : i32
      %dma_start3A_24 = arith.constant 0 : i32
      %dma_start3A_25 = arith.constant 0 : i32
      %dma_start3A_26 = tpu.memref_slice %arg11[%dma_start3A_24, %dma_start3A_25] : memref<40x128xi32, #tpu.memory_space<vmem>> -> memref<10x128xi32, #tpu.memory_space<vmem>>
      %dma_start3A_27 = arith.constant 0 : i32
      %dma_start3A_28 = tpu.memref_slice %arg4[%dma_start3A, %mul3A_23, %dma_start3A_27] : memref<2x1256x128xi32, #tpu.memory_space<hbm>> -> memref<1x10x128xi32, #tpu.memory_space<hbm>>
      %dma_start3A_29 = tpu.memref_squeeze %dma_start3A_28 : memref<1x10x128xi32, #tpu.memory_space<hbm>> -> memref<10x128xi32, #tpu.memory_space<hbm>>
      %dma_start3A_30 = arith.constant 0 : i32
      %dma_start3A_31 = arith.constant 0 : i32
      %dma_start3A_32 = tpu.memref_slice %arg11[%dma_start3A_30, %dma_start3A_31] : memref<40x128xi32, #tpu.memory_space<vmem>> -> memref<10x128xi32, #tpu.memory_space<vmem>>
      %dma_start3A_33 = arith.constant 0 : i32
      %dma_start3A_34 = tpu.memref_slice %arg4[%dma_start3A, %mul3A_23, %dma_start3A_33] : memref<2x1256x128xi32, #tpu.memory_space<hbm>> -> memref<1x10x128xi32, #tpu.memory_space<hbm>>
      %dma_start3A_35 = tpu.memref_squeeze %dma_start3A_34 : memref<1x10x128xi32, #tpu.memory_space<hbm>> -> memref<10x128xi32, #tpu.memory_space<hbm>>
      tpu.enqueue_dma source(%dma_start3A_35 : memref<10x128xi32, #tpu.memory_space<hbm>>) target(%dma_start3A_32 : memref<10x128xi32, #tpu.memory_space<vmem>>) target_semaphore(%arg28 : memref<!tpu.dma_semaphore, #tpu.memory_space<semaphore_mem>>)
      %mul3A_36 = arith.constant 40 : i32
      %mul3A_37 = arith.muli %add3A, %mul3A_36 : i32
      %dma_start3A_38 = arith.constant 1 : i32
      %dma_start3A_39 = arith.constant 0 : i32
      %dma_start3A_40 = arith.constant 0 : i32
      %dma_start3A_41 = tpu.memref_slice %arg12[%dma_start3A_39, %dma_start3A_40] : memref<40x128xi32, #tpu.memory_space<vmem>> -> memref<10x128xi32, #tpu.memory_space<vmem>>
      %dma_start3A_42 = arith.constant 0 : i32
      %dma_start3A_43 = tpu.memref_slice %arg4[%dma_start3A_38, %mul3A_37, %dma_start3A_42] : memref<2x1256x128xi32, #tpu.memory_space<hbm>> -> memref<1x10x128xi32, #tpu.memory_space<hbm>>
      %dma_start3A_44 = tpu.memref_squeeze %dma_start3A_43 : memref<1x10x128xi32, #tpu.memory_space<hbm>> -> memref<10x128xi32, #tpu.memory_space<hbm>>
      %dma_start3A_45 = arith.constant 0 : i32
      %dma_start3A_46 = arith.constant 0 : i32
      %dma_start3A_47 = tpu.memref_slice %arg12[%dma_start3A_45, %dma_start3A_46] : memref<40x128xi32, #tpu.memory_space<vmem>> -> memref<10x128xi32, #tpu.memory_space<vmem>>
      %dma_start3A_48 = arith.constant 0 : i32
      %dma_start3A_49 = tpu.memref_slice %arg4[%dma_start3A_38, %mul3A_37, %dma_start3A_48] : memref<2x1256x128xi32, #tpu.memory_space<hbm>> -> memref<1x10x128xi32, #tpu.memory_space<hbm>>
      %dma_start3A_50 = tpu.memref_squeeze %dma_start3A_49 : memref<1x10x128xi32, #tpu.memory_space<hbm>> -> memref<10x128xi32, #tpu.memory_space<hbm>>
      tpu.enqueue_dma source(%dma_start3A_50 : memref<10x128xi32, #tpu.memory_space<hbm>>) target(%dma_start3A_47 : memref<10x128xi32, #tpu.memory_space<vmem>>) target_semaphore(%arg28 : memref<!tpu.dma_semaphore, #tpu.memory_space<semaphore_mem>>)
      %mul3A_51 = arith.constant 40 : i32
      %mul3A_52 = arith.muli %add3A, %mul3A_51 : i32
      %dma_wait3A = arith.constant 0 : i32
      %dma_wait3A_53 = arith.constant 0 : i32
      %dma_wait3A_54 = arith.constant 0 : i32
      %dma_wait3A_55 = tpu.memref_slice %arg11[%dma_wait3A_53, %dma_wait3A_54] : memref<40x128xi32, #tpu.memory_space<vmem>> -> memref<10x128xi32, #tpu.memory_space<vmem>>
      %dma_wait3A_56 = arith.constant 0 : i32
      %dma_wait3A_57 = tpu.memref_slice %arg4[%dma_wait3A, %mul3A_52, %dma_wait3A_56] : memref<2x1256x128xi32, #tpu.memory_space<hbm>> -> memref<1x10x128xi32, #tpu.memory_space<hbm>>
      %dma_wait3A_58 = tpu.memref_squeeze %dma_wait3A_57 : memref<1x10x128xi32, #tpu.memory_space<hbm>> -> memref<10x128xi32, #tpu.memory_space<hbm>>
      %dma_wait3A_59 = arith.constant 0 : i32
      %dma_wait3A_60 = arith.constant 0 : i32
      %dma_wait3A_61 = tpu.memref_slice %arg11[%dma_wait3A_59, %dma_wait3A_60] : memref<40x128xi32, #tpu.memory_space<vmem>> -> memref<10x128xi32, #tpu.memory_space<vmem>>
      %dma_wait3A_62 = arith.constant 0 : i32
      %dma_wait3A_63 = tpu.memref_slice %arg4[%dma_wait3A, %mul3A_52, %dma_wait3A_62] : memref<2x1256x128xi32, #tpu.memory_space<hbm>> -> memref<1x10x128xi32, #tpu.memory_space<hbm>>
      %dma_wait3A_64 = tpu.memref_squeeze %dma_wait3A_63 : memref<1x10x128xi32, #tpu.memory_space<hbm>> -> memref<10x128xi32, #tpu.memory_space<hbm>>
      tpu.wait_dma2 semaphore(%arg28 : memref<!tpu.dma_semaphore, #tpu.memory_space<semaphore_mem>>) src(%dma_wait3A_64 : memref<10x128xi32, #tpu.memory_space<hbm>>) dst(%dma_wait3A_61 : memref<10x128xi32, #tpu.memory_space<vmem>>)
      %mul3A_65 = arith.constant 40 : i32
      %mul3A_66 = arith.muli %add3A, %mul3A_65 : i32
      %dma_wait3A_67 = arith.constant 0 : i32
      %dma_wait3A_68 = arith.constant 0 : i32
      %dma_wait3A_69 = arith.constant 0 : i32
      %dma_wait3A_70 = tpu.memref_slice %arg11[%dma_wait3A_68, %dma_wait3A_69] : memref<40x128xi32, #tpu.memory_space<vmem>> -> memref<10x128xi32, #tpu.memory_space<vmem>>
      %dma_wait3A_71 = arith.constant 0 : i32
      %dma_wait3A_72 = tpu.memref_slice %arg4[%dma_wait3A_67, %mul3A_66, %dma_wait3A_71] : memref<2x1256x128xi32, #tpu.memory_space<hbm>> -> memref<1x10x128xi32, #tpu.memory_space<hbm>>
      %dma_wait3A_73 = tpu.memref_squeeze %dma_wait3A_72 : memref<1x10x128xi32, #tpu.memory_space<hbm>> -> memref<10x128xi32, #tpu.memory_space<hbm>>
      %dma_wait3A_74 = arith.constant 0 : i32
      %dma_wait3A_75 = arith.constant 0 : i32
      %dma_wait3A_76 = tpu.memref_slice %arg11[%dma_wait3A_74, %dma_wait3A_75] : memref<40x128xi32, #tpu.memory_space<vmem>> -> memref<10x128xi32, #tpu.memory_space<vmem>>
      %dma_wait3A_77 = arith.constant 0 : i32
      %dma_wait3A_78 = tpu.memref_slice %arg4[%dma_wait3A_67, %mul3A_66, %dma_wait3A_77] : memref<2x1256x128xi32, #tpu.memory_space<hbm>> -> memref<1x10x128xi32, #tpu.memory_space<hbm>>
      %dma_wait3A_79 = tpu.memref_squeeze %dma_wait3A_78 : memref<1x10x128xi32, #tpu.memory_space<hbm>> -> memref<10x128xi32, #tpu.memory_space<hbm>>
      tpu.wait_dma2 semaphore(%arg28 : memref<!tpu.dma_semaphore, #tpu.memory_space<semaphore_mem>>) src(%dma_wait3A_79 : memref<10x128xi32, #tpu.memory_space<hbm>>) dst(%dma_wait3A_76 : memref<10x128xi32, #tpu.memory_space<vmem>>)
      %add3A_80 = arith.constant 0 : i32
      %add3A_81 = arith.addi %mul3A_2, %add3A_80 : i32
      %dma_start3A_82 = arith.constant 0 : i32
      %dma_start3A_83 = tpu.memref_slice %arg3[%add3A_81, %dma_start3A_82] : memref<160000x16xf32, #tpu.memory_space<hbm>> -> memref<128x16xf32, #tpu.memory_space<hbm>>
      %dma_start3A_84 = arith.constant 0 : i32
      %dma_start3A_85 = tpu.memref_slice %arg3[%add3A_81, %dma_start3A_84] : memref<160000x16xf32, #tpu.memory_space<hbm>> -> memref<128x16xf32, #tpu.memory_space<hbm>>
      tpu.enqueue_dma source(%dma_start3A_85 : memref<128x16xf32, #tpu.memory_space<hbm>>) target(%arg15 : memref<128x16xf32, #tpu.memory_space<vmem>>) target_semaphore(%arg23 : memref<!tpu.dma_semaphore, #tpu.memory_space<semaphore_mem>>)
      %dma_start3A_86 = arith.constant 0 : i32
      %dma_start3A_87 = arith.constant 0 : i32
      %dma_start3A_88 = tpu.memref_slice %arg11[%dma_start3A_86, %dma_start3A_87] : memref<40x128xi32, #tpu.memory_space<vmem>> -> memref<1x128xi32, #tpu.memory_space<vmem>>
      %dma_start3A_89 = tpu.memref_squeeze %dma_start3A_88 : memref<1x128xi32, #tpu.memory_space<vmem>> -> memref<128xi32, #tpu.memory_space<vmem>>
      %dma_start3A_90 = arith.constant 0 : i32
      %dma_start3A_91 = arith.constant 0 : i32
      %dma_start3A_92 = tpu.memref_slice %arg2[%dma_start3A_90, %dma_start3A_91] : memref<10000x272xf32, #tpu.memory_space<hbm>> -> memref<10000x272xf32, #tpu.memory_space<hbm>>
      tpu.enqueue_indirect_dma source(%dma_start3A_92 : memref<10000x272xf32, #tpu.memory_space<hbm>>) target(%arg13 : memref<128x272xf32, #tpu.memory_space<vmem>>) offsets(%dma_start3A_89 : memref<128xi32, #tpu.memory_space<vmem>>) semaphore(%arg21 : memref<!tpu.dma_semaphore, #tpu.memory_space<semaphore_mem>>)
      %add3A_93 = arith.constant 128 : i32
      %add3A_94 = arith.addi %mul3A_2, %add3A_93 : i32
      %dma_start3A_95 = arith.constant 0 : i32
      %dma_start3A_96 = tpu.memref_slice %arg3[%add3A_94, %dma_start3A_95] : memref<160000x16xf32, #tpu.memory_space<hbm>> -> memref<128x16xf32, #tpu.memory_space<hbm>>
      %dma_start3A_97 = arith.constant 0 : i32
      %dma_start3A_98 = tpu.memref_slice %arg3[%add3A_94, %dma_start3A_97] : memref<160000x16xf32, #tpu.memory_space<hbm>> -> memref<128x16xf32, #tpu.memory_space<hbm>>
      tpu.enqueue_dma source(%dma_start3A_98 : memref<128x16xf32, #tpu.memory_space<hbm>>) target(%arg16 : memref<128x16xf32, #tpu.memory_space<vmem>>) target_semaphore(%arg24 : memref<!tpu.dma_semaphore, #tpu.memory_space<semaphore_mem>>)
      %dma_start3A_99 = arith.constant 1 : i32
      %dma_start3A_100 = arith.constant 0 : i32
      %dma_start3A_101 = tpu.memref_slice %arg11[%dma_start3A_99, %dma_start3A_100] : memref<40x128xi32, #tpu.memory_space<vmem>> -> memref<1x128xi32, #tpu.memory_space<vmem>>
      %dma_start3A_102 = tpu.memref_squeeze %dma_start3A_101 : memref<1x128xi32, #tpu.memory_space<vmem>> -> memref<128xi32, #tpu.memory_space<vmem>>
      %dma_start3A_103 = arith.constant 0 : i32
      %dma_start3A_104 = arith.constant 0 : i32
      %dma_start3A_105 = tpu.memref_slice %arg2[%dma_start3A_103, %dma_start3A_104] : memref<10000x272xf32, #tpu.memory_space<hbm>> -> memref<10000x272xf32, #tpu.memory_space<hbm>>
      tpu.enqueue_indirect_dma source(%dma_start3A_105 : memref<10000x272xf32, #tpu.memory_space<hbm>>) target(%arg14 : memref<128x272xf32, #tpu.memory_space<vmem>>) offsets(%dma_start3A_102 : memref<128xi32, #tpu.memory_space<vmem>>) semaphore(%arg22 : memref<!tpu.dma_semaphore, #tpu.memory_space<semaphore_mem>>)
      %scan3A = arith.constant 0 : i32
      %scan3A_106 = arith.constant 5 : i32
      %scan3A_107 = arith.addi %scan3A, %scan3A_106 : i32
      %scan3A_108 = arith.constant 1 : i32
      scf.for %scan3A_129 = %scan3A to %scan3A_107 step %scan3A_108  : i32 {
        %mul3A_130 = arith.constant 2 : i32
        %mul3A_131 = arith.muli %scan3A_129, %mul3A_130 : i32
        %add3A_132 = arith.constant 0 : i32
        %add3A_133 = arith.addi %add3A_132, %mul3A_131 : i32
        %add3A_134 = arith.constant 0 : i32
        %add3A_135 = arith.addi %add3A_133, %add3A_134 : i32
        %lt3A_136 = arith.constant 10 : i32
        %lt3A_137 = arith.cmpi slt, %add3A_135, %lt3A_136 : i32
        %convert_element_type3A_138 = arith.extui %lt3A_137 : i1 to i32
        %cond3A_139 = arith.constant 0 : i32
        %cond3A_140 = arith.cmpi ne, %convert_element_type3A_138, %cond3A_139 : i32
        scf.if %cond3A_140 {
          %mul3A_148 = arith.constant 128 : i32
          %mul3A_149 = arith.muli %add3A_135, %mul3A_148 : i32
          %add3A_150 = arith.addi %mul3A_2, %mul3A_149 : i32
          %dma_wait3A_151 = arith.constant 0 : i32
          %dma_wait3A_152 = tpu.memref_slice %arg3[%add3A_150, %dma_wait3A_151] : memref<160000x16xf32, #tpu.memory_space<hbm>> -> memref<128x16xf32, #tpu.memory_space<hbm>>
          %dma_wait3A_153 = arith.constant 0 : i32
          %dma_wait3A_154 = tpu.memref_slice %arg3[%add3A_150, %dma_wait3A_153] : memref<160000x16xf32, #tpu.memory_space<hbm>> -> memref<128x16xf32, #tpu.memory_space<hbm>>
          tpu.wait_dma2 semaphore(%arg23 : memref<!tpu.dma_semaphore, #tpu.memory_space<semaphore_mem>>) src(%dma_wait3A_154 : memref<128x16xf32, #tpu.memory_space<hbm>>) dst(%arg15 : memref<128x16xf32, #tpu.memory_space<vmem>>)
          %dma_wait3A_155 = arith.constant 0 : i32
          %dma_wait3A_156 = tpu.memref_slice %arg11[%add3A_135, %dma_wait3A_155] : memref<40x128xi32, #tpu.memory_space<vmem>> -> memref<1x128xi32, #tpu.memory_space<vmem>>
          %dma_wait3A_157 = tpu.memref_squeeze %dma_wait3A_156 : memref<1x128xi32, #tpu.memory_space<vmem>> -> memref<128xi32, #tpu.memory_space<vmem>>
          %dma_wait3A_158 = arith.constant 0 : i32
          %dma_wait3A_159 = arith.constant 0 : i32
          %dma_wait3A_160 = tpu.memref_slice %arg2[%dma_wait3A_158, %dma_wait3A_159] : memref<10000x272xf32, #tpu.memory_space<hbm>> -> memref<10000x272xf32, #tpu.memory_space<hbm>>
          tpu.wait_indirect_dma semaphore(%arg21 : memref<!tpu.dma_semaphore, #tpu.memory_space<semaphore_mem>>) src(%dma_wait3A_160 : memref<10000x272xf32, #tpu.memory_space<hbm>>) dst(%arg13 : memref<128x272xf32, #tpu.memory_space<vmem>>)
          %ge3A = arith.constant 2 : i32
          %ge3A_161 = arith.cmpi sge, %add3A_135, %ge3A : i32
          %convert_element_type3A_162 = arith.extui %ge3A_161 : i1 to i32
          %cond3A_163 = arith.constant 0 : i32
          %cond3A_164 = arith.cmpi ne, %convert_element_type3A_162, %cond3A_163 : i32
          scf.if %cond3A_164 {
            %dma_wait3A_189 = arith.constant 0 : i32
            %dma_wait3A_190 = tpu.memref_slice %arg12[%add3A_135, %dma_wait3A_189] : memref<40x128xi32, #tpu.memory_space<vmem>> -> memref<1x128xi32, #tpu.memory_space<vmem>>
            %dma_wait3A_191 = tpu.memref_squeeze %dma_wait3A_190 : memref<1x128xi32, #tpu.memory_space<vmem>> -> memref<128xi32, #tpu.memory_space<vmem>>
            %dma_wait3A_192 = arith.constant 0 : i32
            %dma_wait3A_193 = arith.constant 0 : i32
            %dma_wait3A_194 = tpu.memref_slice %arg9[%dma_wait3A_192, %dma_wait3A_193] : memref<10112x16xf32, #tpu.memory_space<vmem_shared>> -> memref<10112x16xf32, #tpu.memory_space<vmem_shared>>
            tpu.wait_indirect_dma semaphore(%arg25 : memref<!tpu.dma_semaphore, #tpu.memory_space<semaphore_mem>>) src(%arg17 : memref<128x16xf32, #tpu.memory_space<vmem>>) dst(%dma_wait3A_194 : memref<10112x16xf32, #tpu.memory_space<vmem_shared>>)
          } else {
          }
          %scan3A_165 = arith.constant 0 : i32
          %scan3A_166 = arith.constant 128 : i32
          %scan3A_167 = arith.addi %scan3A_165, %scan3A_166 : i32
          %scan3A_168 = arith.constant 1 : i32
          scf.for %scan3A_189 = %scan3A_165 to %scan3A_167 step %scan3A_168  : i32 {
            %mul3A_190 = arith.constant 1 : i32
            %mul3A_191 = arith.muli %scan3A_189, %mul3A_190 : i32
            %add3A_192 = arith.constant 0 : i32
            %add3A_193 = arith.addi %add3A_192, %mul3A_191 : i32
            %get3A = arith.index_cast %add3A_193 : i32 to index
            %get3A_194 = arith.constant 0 : index
            %get3A_195 = tpu.vector_load %arg15[%get3A, %get3A_194] {strides = array<i32>} : memref<128x16xf32, #tpu.memory_space<vmem>>, vector<1x16xf32>,
            %get3A_196 = vector.shape_cast %get3A_195 : vector<1x16xf32> to vector<16xf32>
            %get3A_197 = arith.index_cast %add3A_193 : i32 to index
            %get3A_198 = arith.constant 256 : index
            %get3A_199 = tpu.vector_load %arg13[%get3A_197, %get3A_198] {strides = array<i32>} : memref<128x272xf32, #tpu.memory_space<vmem>>, vector<1x16xf32>,
            %get3A_200 = vector.shape_cast %get3A_199 : vector<1x16xf32> to vector<16xf32>
            %slice3A = vector.extract_strided_slice %get3A_196 {offsets = [0], sizes = [1], strides = [1]} : vector<16xf32> to vector<1xf32>
            %squeeze3A = vector.extract %slice3A[0] : f32 from vector<1xf32>
            %get3A_201 = arith.index_cast %add3A_193 : i32 to index
            %get3A_202 = arith.constant 0 : index
            %get3A_203 = tpu.vector_load %arg13[%get3A_201, %get3A_202] {strides = array<i32>} : memref<128x272xf32, #tpu.memory_space<vmem>>, vector<1x16xf32>,
            %get3A_204 = vector.shape_cast %get3A_203 : vector<1x16xf32> to vector<16xf32>
            %mul3A_205 = vector.broadcast %squeeze3A : f32 to vector<16xf32>
            %mul3A_206 = arith.mulf %mul3A_205, %get3A_204 : vector<16xf32>
            %add3A_207 = arith.addf %get3A_200, %mul3A_206 : vector<16xf32>
            %slice3A_208 = vector.extract_strided_slice %get3A_196 {offsets = [1], sizes = [1], strides = [1]} : vector<16xf32> to vector<1xf32>
            %squeeze3A_209 = vector.extract %slice3A_208[0] : f32 from vector<1xf32>
            %get3A_210 = arith.index_cast %add3A_193 : i32 to index
            %get3A_211 = arith.constant 16 : index
            %get3A_212 = tpu.vector_load %arg13[%get3A_210, %get3A_211] {strides = array<i32>} : memref<128x272xf32, #tpu.memory_space<vmem>>, vector<1x16xf32>,
            %get3A_213 = vector.shape_cast %get3A_212 : vector<1x16xf32> to vector<16xf32>
            %mul3A_214 = vector.broadcast %squeeze3A_209 : f32 to vector<16xf32>
            %mul3A_215 = arith.mulf %mul3A_214, %get3A_213 : vector<16xf32>
            %slice3A_216 = vector.extract_strided_slice %get3A_196 {offsets = [2], sizes = [1], strides = [1]} : vector<16xf32> to vector<1xf32>
            %squeeze3A_217 = vector.extract %slice3A_216[0] : f32 from vector<1xf32>
            %get3A_218 = arith.index_cast %add3A_193 : i32 to index
            %get3A_219 = arith.constant 32 : index
            %get3A_220 = tpu.vector_load %arg13[%get3A_218, %get3A_219] {strides = array<i32>} : memref<128x272xf32, #tpu.memory_space<vmem>>, vector<1x16xf32>,
            %get3A_221 = vector.shape_cast %get3A_220 : vector<1x16xf32> to vector<16xf32>
            %mul3A_222 = vector.broadcast %squeeze3A_217 : f32 to vector<16xf32>
            %mul3A_223 = arith.mulf %mul3A_222, %get3A_221 : vector<16xf32>
            %slice3A_224 = vector.extract_strided_slice %get3A_196 {offsets = [3], sizes = [1], strides = [1]} : vector<16xf32> to vector<1xf32>
            %squeeze3A_225 = vector.extract %slice3A_224[0] : f32 from vector<1xf32>
            %get3A_226 = arith.index_cast %add3A_193 : i32 to index
            %get3A_227 = arith.constant 48 : index
            %get3A_228 = tpu.vector_load %arg13[%get3A_226, %get3A_227] {strides = array<i32>} : memref<128x272xf32, #tpu.memory_space<vmem>>, vector<1x16xf32>,
            %get3A_229 = vector.shape_cast %get3A_228 : vector<1x16xf32> to vector<16xf32>
            %mul3A_230 = vector.broadcast %squeeze3A_225 : f32 to vector<16xf32>
            %mul3A_231 = arith.mulf %mul3A_230, %get3A_229 : vector<16xf32>
            %slice3A_232 = vector.extract_strided_slice %get3A_196 {offsets = [4], sizes = [1], strides = [1]} : vector<16xf32> to vector<1xf32>
            %squeeze3A_233 = vector.extract %slice3A_232[0] : f32 from vector<1xf32>
            %get3A_234 = arith.index_cast %add3A_193 : i32 to index
            %get3A_235 = arith.constant 64 : index
            %get3A_236 = tpu.vector_load %arg13[%get3A_234, %get3A_235] {strides = array<i32>} : memref<128x272xf32, #tpu.memory_space<vmem>>, vector<1x16xf32>,
            %get3A_237 = vector.shape_cast %get3A_236 : vector<1x16xf32> to vector<16xf32>
            %mul3A_238 = vector.broadcast %squeeze3A_233 : f32 to vector<16xf32>
            %mul3A_239 = arith.mulf %mul3A_238, %get3A_237 : vector<16xf32>
            %add3A_240 = arith.addf %add3A_207, %mul3A_239 : vector<16xf32>
            %slice3A_241 = vector.extract_strided_slice %get3A_196 {offsets = [5], sizes = [1], strides = [1]} : vector<16xf32> to vector<1xf32>
            %squeeze3A_242 = vector.extract %slice3A_241[0] : f32 from vector<1xf32>
            %get3A_243 = arith.index_cast %add3A_193 : i32 to index
            %get3A_244 = arith.constant 80 : index
            %get3A_245 = tpu.vector_load %arg13[%get3A_243, %get3A_244] {strides = array<i32>} : memref<128x272xf32, #tpu.memory_space<vmem>>, vector<1x16xf32>,
            %get3A_246 = vector.shape_cast %get3A_245 : vector<1x16xf32> to vector<16xf32>
            %mul3A_247 = vector.broadcast %squeeze3A_242 : f32 to vector<16xf32>
            %mul3A_248 = arith.mulf %mul3A_247, %get3A_246 : vector<16xf32>
            %add3A_249 = arith.addf %mul3A_215, %mul3A_248 : vector<16xf32>
            %slice3A_250 = vector.extract_strided_slice %get3A_196 {offsets = [6], sizes = [1], strides = [1]} : vector<16xf32> to vector<1xf32>
            %squeeze3A_251 = vector.extract %slice3A_250[0] : f32 from vector<1xf32>
            %get3A_252 = arith.index_cast %add3A_193 : i32 to index
            %get3A_253 = arith.constant 96 : index
            %get3A_254 = tpu.vector_load %arg13[%get3A_252, %get3A_253] {strides = array<i32>} : memref<128x272xf32, #tpu.memory_space<vmem>>, vector<1x16xf32>,
            %get3A_255 = vector.shape_cast %get3A_254 : vector<1x16xf32> to vector<16xf32>
            %mul3A_256 = vector.broadcast %squeeze3A_251 : f32 to vector<16xf32>
            %mul3A_257 = arith.mulf %mul3A_256, %get3A_255 : vector<16xf32>
            %add3A_258 = arith.addf %mul3A_223, %mul3A_257 : vector<16xf32>
            %slice3A_259 = vector.extract_strided_slice %get3A_196 {offsets = [7], sizes = [1], strides = [1]} : vector<16xf32> to vector<1xf32>
            %squeeze3A_260 = vector.extract %slice3A_259[0] : f32 from vector<1xf32>
            %get3A_261 = arith.index_cast %add3A_193 : i32 to index
            %get3A_262 = arith.constant 112 : index
            %get3A_263 = tpu.vector_load %arg13[%get3A_261, %get3A_262] {strides = array<i32>} : memref<128x272xf32, #tpu.memory_space<vmem>>, vector<1x16xf32>,
            %get3A_264 = vector.shape_cast %get3A_263 : vector<1x16xf32> to vector<16xf32>
            %mul3A_265 = vector.broadcast %squeeze3A_260 : f32 to vector<16xf32>
            %mul3A_266 = arith.mulf %mul3A_265, %get3A_264 : vector<16xf32>
            %add3A_267 = arith.addf %mul3A_231, %mul3A_266 : vector<16xf32>
            %slice3A_268 = vector.extract_strided_slice %get3A_196 {offsets = [8], sizes = [1], strides = [1]} : vector<16xf32> to vector<1xf32>
            %squeeze3A_269 = vector.extract %slice3A_268[0] : f32 from vector<1xf32>
            %get3A_270 = arith.index_cast %add3A_193 : i32 to index
            %get3A_271 = arith.constant 128 : index
            %get3A_272 = tpu.vector_load %arg13[%get3A_270, %get3A_271] {strides = array<i32>} : memref<128x272xf32, #tpu.memory_space<vmem>>, vector<1x16xf32>,
            %get3A_273 = vector.shape_cast %get3A_272 : vector<1x16xf32> to vector<16xf32>
            %mul3A_274 = vector.broadcast %squeeze3A_269 : f32 to vector<16xf32>
            %mul3A_275 = arith.mulf %mul3A_274, %get3A_273 : vector<16xf32>
            %add3A_276 = arith.addf %add3A_240, %mul3A_275 : vector<16xf32>
            %slice3A_277 = vector.extract_strided_slice %get3A_196 {offsets = [9], sizes = [1], strides = [1]} : vector<16xf32> to vector<1xf32>
            %squeeze3A_278 = vector.extract %slice3A_277[0] : f32 from vector<1xf32>
            %get3A_279 = arith.index_cast %add3A_193 : i32 to index
            %get3A_280 = arith.constant 144 : index
            %get3A_281 = tpu.vector_load %arg13[%get3A_279, %get3A_280] {strides = array<i32>} : memref<128x272xf32, #tpu.memory_space<vmem>>, vector<1x16xf32>,
            %get3A_282 = vector.shape_cast %get3A_281 : vector<1x16xf32> to vector<16xf32>
            %mul3A_283 = vector.broadcast %squeeze3A_278 : f32 to vector<16xf32>
            %mul3A_284 = arith.mulf %mul3A_283, %get3A_282 : vector<16xf32>
            %add3A_285 = arith.addf %add3A_249, %mul3A_284 : vector<16xf32>
            %slice3A_286 = vector.extract_strided_slice %get3A_196 {offsets = [10], sizes = [1], strides = [1]} : vector<16xf32> to vector<1xf32>
            %squeeze3A_287 = vector.extract %slice3A_286[0] : f32 from vector<1xf32>
            %get3A_288 = arith.index_cast %add3A_193 : i32 to index
            %get3A_289 = arith.constant 160 : index
            %get3A_290 = tpu.vector_load %arg13[%get3A_288, %get3A_289] {strides = array<i32>} : memref<128x272xf32, #tpu.memory_space<vmem>>, vector<1x16xf32>,
            %get3A_291 = vector.shape_cast %get3A_290 : vector<1x16xf32> to vector<16xf32>
            %mul3A_292 = vector.broadcast %squeeze3A_287 : f32 to vector<16xf32>
            %mul3A_293 = arith.mulf %mul3A_292, %get3A_291 : vector<16xf32>
            %add3A_294 = arith.addf %add3A_258, %mul3A_293 : vector<16xf32>
            %slice3A_295 = vector.extract_strided_slice %get3A_196 {offsets = [11], sizes = [1], strides = [1]} : vector<16xf32> to vector<1xf32>
            %squeeze3A_296 = vector.extract %slice3A_295[0] : f32 from vector<1xf32>
            %get3A_297 = arith.index_cast %add3A_193 : i32 to index
            %get3A_298 = arith.constant 176 : index
            %get3A_299 = tpu.vector_load %arg13[%get3A_297, %get3A_298] {strides = array<i32>} : memref<128x272xf32, #tpu.memory_space<vmem>>, vector<1x16xf32>,
            %get3A_300 = vector.shape_cast %get3A_299 : vector<1x16xf32> to vector<16xf32>
            %mul3A_301 = vector.broadcast %squeeze3A_296 : f32 to vector<16xf32>
            %mul3A_302 = arith.mulf %mul3A_301, %get3A_300 : vector<16xf32>
            %add3A_303 = arith.addf %add3A_267, %mul3A_302 : vector<16xf32>
            %slice3A_304 = vector.extract_strided_slice %get3A_196 {offsets = [12], sizes = [1], strides = [1]} : vector<16xf32> to vector<1xf32>
            %squeeze3A_305 = vector.extract %slice3A_304[0] : f32 from vector<1xf32>
            %get3A_306 = arith.index_cast %add3A_193 : i32 to index
            %get3A_307 = arith.constant 192 : index
            %get3A_308 = tpu.vector_load %arg13[%get3A_306, %get3A_307] {strides = array<i32>} : memref<128x272xf32, #tpu.memory_space<vmem>>, vector<1x16xf32>,
            %get3A_309 = vector.shape_cast %get3A_308 : vector<1x16xf32> to vector<16xf32>
            %mul3A_310 = vector.broadcast %squeeze3A_305 : f32 to vector<16xf32>
            %mul3A_311 = arith.mulf %mul3A_310, %get3A_309 : vector<16xf32>
            %add3A_312 = arith.addf %add3A_276, %mul3A_311 : vector<16xf32>
            %slice3A_313 = vector.extract_strided_slice %get3A_196 {offsets = [13], sizes = [1], strides = [1]} : vector<16xf32> to vector<1xf32>
            %squeeze3A_314 = vector.extract %slice3A_313[0] : f32 from vector<1xf32>
            %get3A_315 = arith.index_cast %add3A_193 : i32 to index
            %get3A_316 = arith.constant 208 : index
            %get3A_317 = tpu.vector_load %arg13[%get3A_315, %get3A_316] {strides = array<i32>} : memref<128x272xf32, #tpu.memory_space<vmem>>, vector<1x16xf32>,
            %get3A_318 = vector.shape_cast %get3A_317 : vector<1x16xf32> to vector<16xf32>
            %mul3A_319 = vector.broadcast %squeeze3A_314 : f32 to vector<16xf32>
            %mul3A_320 = arith.mulf %mul3A_319, %get3A_318 : vector<16xf32>
            %add3A_321 = arith.addf %add3A_285, %mul3A_320 : vector<16xf32>
            %slice3A_322 = vector.extract_strided_slice %get3A_196 {offsets = [14], sizes = [1], strides = [1]} : vector<16xf32> to vector<1xf32>
            %squeeze3A_323 = vector.extract %slice3A_322[0] : f32 from vector<1xf32>
            %get3A_324 = arith.index_cast %add3A_193 : i32 to index
            %get3A_325 = arith.constant 224 : index
            %get3A_326 = tpu.vector_load %arg13[%get3A_324, %get3A_325] {strides = array<i32>} : memref<128x272xf32, #tpu.memory_space<vmem>>, vector<1x16xf32>,
            %get3A_327 = vector.shape_cast %get3A_326 : vector<1x16xf32> to vector<16xf32>
            %mul3A_328 = vector.broadcast %squeeze3A_323 : f32 to vector<16xf32>
            %mul3A_329 = arith.mulf %mul3A_328, %get3A_327 : vector<16xf32>
            %add3A_330 = arith.addf %add3A_294, %mul3A_329 : vector<16xf32>
            %slice3A_331 = vector.extract_strided_slice %get3A_196 {offsets = [15], sizes = [1], strides = [1]} : vector<16xf32> to vector<1xf32>
            %squeeze3A_332 = vector.extract %slice3A_331[0] : f32 from vector<1xf32>
            %get3A_333 = arith.index_cast %add3A_193 : i32 to index
            %get3A_334 = arith.constant 240 : index
            %get3A_335 = tpu.vector_load %arg13[%get3A_333, %get3A_334] {strides = array<i32>} : memref<128x272xf32, #tpu.memory_space<vmem>>, vector<1x16xf32>,
            %get3A_336 = vector.shape_cast %get3A_335 : vector<1x16xf32> to vector<16xf32>
            %mul3A_337 = vector.broadcast %squeeze3A_332 : f32 to vector<16xf32>
            %mul3A_338 = arith.mulf %mul3A_337, %get3A_336 : vector<16xf32>
            %add3A_339 = arith.addf %add3A_303, %mul3A_338 : vector<16xf32>
            %add3A_340 = arith.addf %add3A_312, %add3A_321 : vector<16xf32>
            %add3A_341 = arith.addf %add3A_330, %add3A_339 : vector<16xf32>
            %add3A_342 = arith.addf %add3A_340, %add3A_341 : vector<16xf32>
            %swap3A = arith.index_cast %add3A_193 : i32 to index
            %swap3A_343 = arith.constant 0 : index
            %swap3A_344 = tpu.vector_load %arg17[%swap3A, %swap3A_343] {strides = array<i32>} : memref<128x16xf32, #tpu.memory_space<vmem>>, vector<1x16xf32>,
            %swap3A_345 = vector.shape_cast %swap3A_344 : vector<1x16xf32> to vector<16xf32>
            %swap3A_346 = vector.shape_cast %add3A_342 : vector<16xf32> to vector<1x16xf32>
            tpu.vector_store %arg17[%swap3A, %swap3A_343], %swap3A_346 {strides = array<i32>} : memref<128x16xf32, #tpu.memory_space<vmem>>, vector<1x16xf32>,
          }
          %scan3A_169 = arith.constant 128 : i32
          %add3A_170 = arith.constant 2 : i32
          %add3A_171 = arith.addi %add3A_135, %add3A_170 : i32
          %lt3A_172 = arith.constant 10 : i32
          %lt3A_173 = arith.cmpi slt, %add3A_171, %lt3A_172 : i32
          %convert_element_type3A_174 = arith.extui %lt3A_173 : i1 to i32
          %cond3A_175 = arith.constant 0 : i32
          %cond3A_176 = arith.cmpi ne, %convert_element_type3A_174, %cond3A_175 : i32
          scf.if %cond3A_176 {
            %add3A_189 = arith.constant 2 : i32
            %add3A_190 = arith.addi %add3A_135, %add3A_189 : i32
            %mul3A_191 = arith.constant 128 : i32
            %mul3A_192 = arith.muli %add3A_190, %mul3A_191 : i32
            %add3A_193 = arith.addi %mul3A_2, %mul3A_192 : i32
            %dma_start3A_194 = arith.constant 0 : i32
            %dma_start3A_195 = tpu.memref_slice %arg3[%add3A_193, %dma_start3A_194] : memref<160000x16xf32, #tpu.memory_space<hbm>> -> memref<128x16xf32, #tpu.memory_space<hbm>>
            %dma_start3A_196 = arith.constant 0 : i32
            %dma_start3A_197 = tpu.memref_slice %arg3[%add3A_193, %dma_start3A_196] : memref<160000x16xf32, #tpu.memory_space<hbm>> -> memref<128x16xf32, #tpu.memory_space<hbm>>
            tpu.enqueue_dma source(%dma_start3A_197 : memref<128x16xf32, #tpu.memory_space<hbm>>) target(%arg15 : memref<128x16xf32, #tpu.memory_space<vmem>>) target_semaphore(%arg23 : memref<!tpu.dma_semaphore, #tpu.memory_space<semaphore_mem>>)
            %dma_start3A_198 = arith.constant 0 : i32
            %dma_start3A_199 = tpu.memref_slice %arg11[%add3A_190, %dma_start3A_198] : memref<40x128xi32, #tpu.memory_space<vmem>> -> memref<1x128xi32, #tpu.memory_space<vmem>>
            %dma_start3A_200 = tpu.memref_squeeze %dma_start3A_199 : memref<1x128xi32, #tpu.memory_space<vmem>> -> memref<128xi32, #tpu.memory_space<vmem>>
            %dma_start3A_201 = arith.constant 0 : i32
            %dma_start3A_202 = arith.constant 0 : i32
            %dma_start3A_203 = tpu.memref_slice %arg2[%dma_start3A_201, %dma_start3A_202] : memref<10000x272xf32, #tpu.memory_space<hbm>> -> memref<10000x272xf32, #tpu.memory_space<hbm>>
            tpu.enqueue_indirect_dma source(%dma_start3A_203 : memref<10000x272xf32, #tpu.memory_space<hbm>>) target(%arg13 : memref<128x272xf32, #tpu.memory_space<vmem>>) offsets(%dma_start3A_200 : memref<128xi32, #tpu.memory_space<vmem>>) semaphore(%arg21 : memref<!tpu.dma_semaphore, #tpu.memory_space<semaphore_mem>>)
          } else {
          }
          %dma_start3A_177 = arith.constant 0 : i32
          %dma_start3A_178 = tpu.memref_slice %arg12[%add3A_135, %dma_start3A_177] : memref<40x128xi32, #tpu.memory_space<vmem>> -> memref<1x128xi32, #tpu.memory_space<vmem>>
          %dma_start3A_179 = tpu.memref_squeeze %dma_start3A_178 : memref<1x128xi32, #tpu.memory_space<vmem>> -> memref<128xi32, #tpu.memory_space<vmem>>
          %dma_start3A_180 = arith.constant 0 : i32
          %dma_start3A_181 = arith.constant 0 : i32
          %dma_start3A_182 = tpu.memref_slice %arg9[%dma_start3A_180, %dma_start3A_181] : memref<10112x16xf32, #tpu.memory_space<vmem_shared>> -> memref<10112x16xf32, #tpu.memory_space<vmem_shared>>
          tpu.enqueue_indirect_dma source(%arg17 : memref<128x16xf32, #tpu.memory_space<vmem>>) target(%dma_start3A_182 : memref<10112x16xf32, #tpu.memory_space<vmem_shared>>) offsets(%dma_start3A_179 : memref<128xi32, #tpu.memory_space<vmem>>) semaphore(%arg25 : memref<!tpu.dma_semaphore, #tpu.memory_space<semaphore_mem>>) {add = true}
          %dma_start3A_183 = arith.constant 0 : i32
          %dma_start3A_184 = tpu.memref_slice %arg12[%add3A_135, %dma_start3A_183] : memref<40x128xi32, #tpu.memory_space<vmem>> -> memref<1x128xi32, #tpu.memory_space<vmem>>
          %dma_start3A_185 = tpu.memref_squeeze %dma_start3A_184 : memref<1x128xi32, #tpu.memory_space<vmem>> -> memref<128xi32, #tpu.memory_space<vmem>>
          %dma_start3A_186 = arith.constant 0 : i32
          %dma_start3A_187 = arith.constant 0 : i32
          %dma_start3A_188 = tpu.memref_slice %arg10[%dma_start3A_186, %dma_start3A_187] : memref<10112x16xf32, #tpu.memory_space<vmem_shared>> -> memref<10112x16xf32, #tpu.memory_space<vmem_shared>>
          tpu.enqueue_indirect_dma source(%arg19 : memref<128x16xf32, #tpu.memory_space<vmem>>) target(%dma_start3A_188 : memref<10112x16xf32, #tpu.memory_space<vmem_shared>>) offsets(%dma_start3A_185 : memref<128xi32, #tpu.memory_space<vmem>>) semaphore(%arg27 : memref<!tpu.dma_semaphore, #tpu.memory_space<semaphore_mem>>) {add = true}
        } else {
        }
        %add3A_141 = arith.constant 1 : i32
        %add3A_142 = arith.addi %add3A_133, %add3A_141 : i32
        %lt3A_143 = arith.constant 10 : i32
        %lt3A_144 = arith.cmpi slt, %add3A_142, %lt3A_143 : i32
        %convert_element_type3A_145 = arith.extui %lt3A_144 : i1 to i32
        %cond3A_146 = arith.constant 0 : i32
        %cond3A_147 = arith.cmpi ne, %convert_element_type3A_145, %cond3A_146 : i32
        scf.if %cond3A_147 {
          %mul3A_148 = arith.constant 128 : i32
          %mul3A_149 = arith.muli %add3A_142, %mul3A_148 : i32
          %add3A_150 = arith.addi %mul3A_2, %mul3A_149 : i32
          %dma_wait3A_151 = arith.constant 0 : i32
          %dma_wait3A_152 = tpu.memref_slice %arg3[%add3A_150, %dma_wait3A_151] : memref<160000x16xf32, #tpu.memory_space<hbm>> -> memref<128x16xf32, #tpu.memory_space<hbm>>
          %dma_wait3A_153 = arith.constant 0 : i32
          %dma_wait3A_154 = tpu.memref_slice %arg3[%add3A_150, %dma_wait3A_153] : memref<160000x16xf32, #tpu.memory_space<hbm>> -> memref<128x16xf32, #tpu.memory_space<hbm>>
          tpu.wait_dma2 semaphore(%arg24 : memref<!tpu.dma_semaphore, #tpu.memory_space<semaphore_mem>>) src(%dma_wait3A_154 : memref<128x16xf32, #tpu.memory_space<hbm>>) dst(%arg16 : memref<128x16xf32, #tpu.memory_space<vmem>>)
          %dma_wait3A_155 = arith.constant 0 : i32
          %dma_wait3A_156 = tpu.memref_slice %arg11[%add3A_142, %dma_wait3A_155] : memref<40x128xi32, #tpu.memory_space<vmem>> -> memref<1x128xi32, #tpu.memory_space<vmem>>
          %dma_wait3A_157 = tpu.memref_squeeze %dma_wait3A_156 : memref<1x128xi32, #tpu.memory_space<vmem>> -> memref<128xi32, #tpu.memory_space<vmem>>
          %dma_wait3A_158 = arith.constant 0 : i32
          %dma_wait3A_159 = arith.constant 0 : i32
          %dma_wait3A_160 = tpu.memref_slice %arg2[%dma_wait3A_158, %dma_wait3A_159] : memref<10000x272xf32, #tpu.memory_space<hbm>> -> memref<10000x272xf32, #tpu.memory_space<hbm>>
          tpu.wait_indirect_dma semaphore(%arg22 : memref<!tpu.dma_semaphore, #tpu.memory_space<semaphore_mem>>) src(%dma_wait3A_160 : memref<10000x272xf32, #tpu.memory_space<hbm>>) dst(%arg14 : memref<128x272xf32, #tpu.memory_space<vmem>>)
          %ge3A = arith.constant 2 : i32
          %ge3A_161 = arith.cmpi sge, %add3A_142, %ge3A : i32
          %convert_element_type3A_162 = arith.extui %ge3A_161 : i1 to i32
          %cond3A_163 = arith.constant 0 : i32
          %cond3A_164 = arith.cmpi ne, %convert_element_type3A_162, %cond3A_163 : i32
          scf.if %cond3A_164 {
            %dma_wait3A_189 = arith.constant 0 : i32
            %dma_wait3A_190 = tpu.memref_slice %arg12[%add3A_142, %dma_wait3A_189] : memref<40x128xi32, #tpu.memory_space<vmem>> -> memref<1x128xi32, #tpu.memory_space<vmem>>
            %dma_wait3A_191 = tpu.memref_squeeze %dma_wait3A_190 : memref<1x128xi32, #tpu.memory_space<vmem>> -> memref<128xi32, #tpu.memory_space<vmem>>
            %dma_wait3A_192 = arith.constant 0 : i32
            %dma_wait3A_193 = arith.constant 0 : i32
            %dma_wait3A_194 = tpu.memref_slice %arg9[%dma_wait3A_192, %dma_wait3A_193] : memref<10112x16xf32, #tpu.memory_space<vmem_shared>> -> memref<10112x16xf32, #tpu.memory_space<vmem_shared>>
            tpu.wait_indirect_dma semaphore(%arg26 : memref<!tpu.dma_semaphore, #tpu.memory_space<semaphore_mem>>) src(%arg18 : memref<128x16xf32, #tpu.memory_space<vmem>>) dst(%dma_wait3A_194 : memref<10112x16xf32, #tpu.memory_space<vmem_shared>>)
          } else {
          }
          %scan3A_165 = arith.constant 0 : i32
          %scan3A_166 = arith.constant 128 : i32
          %scan3A_167 = arith.addi %scan3A_165, %scan3A_166 : i32
          %scan3A_168 = arith.constant 1 : i32
          scf.for %scan3A_189 = %scan3A_165 to %scan3A_167 step %scan3A_168  : i32 {
            %mul3A_190 = arith.constant 1 : i32
            %mul3A_191 = arith.muli %scan3A_189, %mul3A_190 : i32
            %add3A_192 = arith.constant 0 : i32
            %add3A_193 = arith.addi %add3A_192, %mul3A_191 : i32
            %get3A = arith.index_cast %add3A_193 : i32 to index
            %get3A_194 = arith.constant 0 : index
            %get3A_195 = tpu.vector_load %arg16[%get3A, %get3A_194] {strides = array<i32>} : memref<128x16xf32, #tpu.memory_space<vmem>>, vector<1x16xf32>,
            %get3A_196 = vector.shape_cast %get3A_195 : vector<1x16xf32> to vector<16xf32>
            %get3A_197 = arith.index_cast %add3A_193 : i32 to index
            %get3A_198 = arith.constant 256 : index
            %get3A_199 = tpu.vector_load %arg14[%get3A_197, %get3A_198] {strides = array<i32>} : memref<128x272xf32, #tpu.memory_space<vmem>>, vector<1x16xf32>,
            %get3A_200 = vector.shape_cast %get3A_199 : vector<1x16xf32> to vector<16xf32>
            %slice3A = vector.extract_strided_slice %get3A_196 {offsets = [0], sizes = [1], strides = [1]} : vector<16xf32> to vector<1xf32>
            %squeeze3A = vector.extract %slice3A[0] : f32 from vector<1xf32>
            %get3A_201 = arith.index_cast %add3A_193 : i32 to index
            %get3A_202 = arith.constant 0 : index
            %get3A_203 = tpu.vector_load %arg14[%get3A_201, %get3A_202] {strides = array<i32>} : memref<128x272xf32, #tpu.memory_space<vmem>>, vector<1x16xf32>,
            %get3A_204 = vector.shape_cast %get3A_203 : vector<1x16xf32> to vector<16xf32>
            %mul3A_205 = vector.broadcast %squeeze3A : f32 to vector<16xf32>
            %mul3A_206 = arith.mulf %mul3A_205, %get3A_204 : vector<16xf32>
            %add3A_207 = arith.addf %get3A_200, %mul3A_206 : vector<16xf32>
            %slice3A_208 = vector.extract_strided_slice %get3A_196 {offsets = [1], sizes = [1], strides = [1]} : vector<16xf32> to vector<1xf32>
            %squeeze3A_209 = vector.extract %slice3A_208[0] : f32 from vector<1xf32>
            %get3A_210 = arith.index_cast %add3A_193 : i32 to index
            %get3A_211 = arith.constant 16 : index
            %get3A_212 = tpu.vector_load %arg14[%get3A_210, %get3A_211] {strides = array<i32>} : memref<128x272xf32, #tpu.memory_space<vmem>>, vector<1x16xf32>,
            %get3A_213 = vector.shape_cast %get3A_212 : vector<1x16xf32> to vector<16xf32>
            %mul3A_214 = vector.broadcast %squeeze3A_209 : f32 to vector<16xf32>
            %mul3A_215 = arith.mulf %mul3A_214, %get3A_213 : vector<16xf32>
            %slice3A_216 = vector.extract_strided_slice %get3A_196 {offsets = [2], sizes = [1], strides = [1]} : vector<16xf32> to vector<1xf32>
            %squeeze3A_217 = vector.extract %slice3A_216[0] : f32 from vector<1xf32>
            %get3A_218 = arith.index_cast %add3A_193 : i32 to index
            %get3A_219 = arith.constant 32 : index
            %get3A_220 = tpu.vector_load %arg14[%get3A_218, %get3A_219] {strides = array<i32>} : memref<128x272xf32, #tpu.memory_space<vmem>>, vector<1x16xf32>,
            %get3A_221 = vector.shape_cast %get3A_220 : vector<1x16xf32> to vector<16xf32>
            %mul3A_222 = vector.broadcast %squeeze3A_217 : f32 to vector<16xf32>
            %mul3A_223 = arith.mulf %mul3A_222, %get3A_221 : vector<16xf32>
            %slice3A_224 = vector.extract_strided_slice %get3A_196 {offsets = [3], sizes = [1], strides = [1]} : vector<16xf32> to vector<1xf32>
            %squeeze3A_225 = vector.extract %slice3A_224[0] : f32 from vector<1xf32>
            %get3A_226 = arith.index_cast %add3A_193 : i32 to index
            %get3A_227 = arith.constant 48 : index
            %get3A_228 = tpu.vector_load %arg14[%get3A_226, %get3A_227] {strides = array<i32>} : memref<128x272xf32, #tpu.memory_space<vmem>>, vector<1x16xf32>,
            %get3A_229 = vector.shape_cast %get3A_228 : vector<1x16xf32> to vector<16xf32>
            %mul3A_230 = vector.broadcast %squeeze3A_225 : f32 to vector<16xf32>
            %mul3A_231 = arith.mulf %mul3A_230, %get3A_229 : vector<16xf32>
            %slice3A_232 = vector.extract_strided_slice %get3A_196 {offsets = [4], sizes = [1], strides = [1]} : vector<16xf32> to vector<1xf32>
            %squeeze3A_233 = vector.extract %slice3A_232[0] : f32 from vector<1xf32>
            %get3A_234 = arith.index_cast %add3A_193 : i32 to index
            %get3A_235 = arith.constant 64 : index
            %get3A_236 = tpu.vector_load %arg14[%get3A_234, %get3A_235] {strides = array<i32>} : memref<128x272xf32, #tpu.memory_space<vmem>>, vector<1x16xf32>,
            %get3A_237 = vector.shape_cast %get3A_236 : vector<1x16xf32> to vector<16xf32>
            %mul3A_238 = vector.broadcast %squeeze3A_233 : f32 to vector<16xf32>
            %mul3A_239 = arith.mulf %mul3A_238, %get3A_237 : vector<16xf32>
            %add3A_240 = arith.addf %add3A_207, %mul3A_239 : vector<16xf32>
            %slice3A_241 = vector.extract_strided_slice %get3A_196 {offsets = [5], sizes = [1], strides = [1]} : vector<16xf32> to vector<1xf32>
            %squeeze3A_242 = vector.extract %slice3A_241[0] : f32 from vector<1xf32>
            %get3A_243 = arith.index_cast %add3A_193 : i32 to index
            %get3A_244 = arith.constant 80 : index
            %get3A_245 = tpu.vector_load %arg14[%get3A_243, %get3A_244] {strides = array<i32>} : memref<128x272xf32, #tpu.memory_space<vmem>>, vector<1x16xf32>,
            %get3A_246 = vector.shape_cast %get3A_245 : vector<1x16xf32> to vector<16xf32>
            %mul3A_247 = vector.broadcast %squeeze3A_242 : f32 to vector<16xf32>
            %mul3A_248 = arith.mulf %mul3A_247, %get3A_246 : vector<16xf32>
            %add3A_249 = arith.addf %mul3A_215, %mul3A_248 : vector<16xf32>
            %slice3A_250 = vector.extract_strided_slice %get3A_196 {offsets = [6], sizes = [1], strides = [1]} : vector<16xf32> to vector<1xf32>
            %squeeze3A_251 = vector.extract %slice3A_250[0] : f32 from vector<1xf32>
            %get3A_252 = arith.index_cast %add3A_193 : i32 to index
            %get3A_253 = arith.constant 96 : index
            %get3A_254 = tpu.vector_load %arg14[%get3A_252, %get3A_253] {strides = array<i32>} : memref<128x272xf32, #tpu.memory_space<vmem>>, vector<1x16xf32>,
            %get3A_255 = vector.shape_cast %get3A_254 : vector<1x16xf32> to vector<16xf32>
            %mul3A_256 = vector.broadcast %squeeze3A_251 : f32 to vector<16xf32>
            %mul3A_257 = arith.mulf %mul3A_256, %get3A_255 : vector<16xf32>
            %add3A_258 = arith.addf %mul3A_223, %mul3A_257 : vector<16xf32>
            %slice3A_259 = vector.extract_strided_slice %get3A_196 {offsets = [7], sizes = [1], strides = [1]} : vector<16xf32> to vector<1xf32>
            %squeeze3A_260 = vector.extract %slice3A_259[0] : f32 from vector<1xf32>
            %get3A_261 = arith.index_cast %add3A_193 : i32 to index
            %get3A_262 = arith.constant 112 : index
            %get3A_263 = tpu.vector_load %arg14[%get3A_261, %get3A_262] {strides = array<i32>} : memref<128x272xf32, #tpu.memory_space<vmem>>, vector<1x16xf32>,
            %get3A_264 = vector.shape_cast %get3A_263 : vector<1x16xf32> to vector<16xf32>
            %mul3A_265 = vector.broadcast %squeeze3A_260 : f32 to vector<16xf32>
            %mul3A_266 = arith.mulf %mul3A_265, %get3A_264 : vector<16xf32>
            %add3A_267 = arith.addf %mul3A_231, %mul3A_266 : vector<16xf32>
            %slice3A_268 = vector.extract_strided_slice %get3A_196 {offsets = [8], sizes = [1], strides = [1]} : vector<16xf32> to vector<1xf32>
            %squeeze3A_269 = vector.extract %slice3A_268[0] : f32 from vector<1xf32>
            %get3A_270 = arith.index_cast %add3A_193 : i32 to index
            %get3A_271 = arith.constant 128 : index
            %get3A_272 = tpu.vector_load %arg14[%get3A_270, %get3A_271] {strides = array<i32>} : memref<128x272xf32, #tpu.memory_space<vmem>>, vector<1x16xf32>,
            %get3A_273 = vector.shape_cast %get3A_272 : vector<1x16xf32> to vector<16xf32>
            %mul3A_274 = vector.broadcast %squeeze3A_269 : f32 to vector<16xf32>
            %mul3A_275 = arith.mulf %mul3A_274, %get3A_273 : vector<16xf32>
            %add3A_276 = arith.addf %add3A_240, %mul3A_275 : vector<16xf32>
            %slice3A_277 = vector.extract_strided_slice %get3A_196 {offsets = [9], sizes = [1], strides = [1]} : vector<16xf32> to vector<1xf32>
            %squeeze3A_278 = vector.extract %slice3A_277[0] : f32 from vector<1xf32>
            %get3A_279 = arith.index_cast %add3A_193 : i32 to index
            %get3A_280 = arith.constant 144 : index
            %get3A_281 = tpu.vector_load %arg14[%get3A_279, %get3A_280] {strides = array<i32>} : memref<128x272xf32, #tpu.memory_space<vmem>>, vector<1x16xf32>,
            %get3A_282 = vector.shape_cast %get3A_281 : vector<1x16xf32> to vector<16xf32>
            %mul3A_283 = vector.broadcast %squeeze3A_278 : f32 to vector<16xf32>
            %mul3A_284 = arith.mulf %mul3A_283, %get3A_282 : vector<16xf32>
            %add3A_285 = arith.addf %add3A_249, %mul3A_284 : vector<16xf32>
            %slice3A_286 = vector.extract_strided_slice %get3A_196 {offsets = [10], sizes = [1], strides = [1]} : vector<16xf32> to vector<1xf32>
            %squeeze3A_287 = vector.extract %slice3A_286[0] : f32 from vector<1xf32>
            %get3A_288 = arith.index_cast %add3A_193 : i32 to index
            %get3A_289 = arith.constant 160 : index
            %get3A_290 = tpu.vector_load %arg14[%get3A_288, %get3A_289] {strides = array<i32>} : memref<128x272xf32, #tpu.memory_space<vmem>>, vector<1x16xf32>,
            %get3A_291 = vector.shape_cast %get3A_290 : vector<1x16xf32> to vector<16xf32>
            %mul3A_292 = vector.broadcast %squeeze3A_287 : f32 to vector<16xf32>
            %mul3A_293 = arith.mulf %mul3A_292, %get3A_291 : vector<16xf32>
            %add3A_294 = arith.addf %add3A_258, %mul3A_293 : vector<16xf32>
            %slice3A_295 = vector.extract_strided_slice %get3A_196 {offsets = [11], sizes = [1], strides = [1]} : vector<16xf32> to vector<1xf32>
            %squeeze3A_296 = vector.extract %slice3A_295[0] : f32 from vector<1xf32>
            %get3A_297 = arith.index_cast %add3A_193 : i32 to index
            %get3A_298 = arith.constant 176 : index
            %get3A_299 = tpu.vector_load %arg14[%get3A_297, %get3A_298] {strides = array<i32>} : memref<128x272xf32, #tpu.memory_space<vmem>>, vector<1x16xf32>,
            %get3A_300 = vector.shape_cast %get3A_299 : vector<1x16xf32> to vector<16xf32>
            %mul3A_301 = vector.broadcast %squeeze3A_296 : f32 to vector<16xf32>
            %mul3A_302 = arith.mulf %mul3A_301, %get3A_300 : vector<16xf32>
            %add3A_303 = arith.addf %add3A_267, %mul3A_302 : vector<16xf32>
            %slice3A_304 = vector.extract_strided_slice %get3A_196 {offsets = [12], sizes = [1], strides = [1]} : vector<16xf32> to vector<1xf32>
            %squeeze3A_305 = vector.extract %slice3A_304[0] : f32 from vector<1xf32>
            %get3A_306 = arith.index_cast %add3A_193 : i32 to index
            %get3A_307 = arith.constant 192 : index
            %get3A_308 = tpu.vector_load %arg14[%get3A_306, %get3A_307] {strides = array<i32>} : memref<128x272xf32, #tpu.memory_space<vmem>>, vector<1x16xf32>,
            %get3A_309 = vector.shape_cast %get3A_308 : vector<1x16xf32> to vector<16xf32>
            %mul3A_310 = vector.broadcast %squeeze3A_305 : f32 to vector<16xf32>
            %mul3A_311 = arith.mulf %mul3A_310, %get3A_309 : vector<16xf32>
            %add3A_312 = arith.addf %add3A_276, %mul3A_311 : vector<16xf32>
            %slice3A_313 = vector.extract_strided_slice %get3A_196 {offsets = [13], sizes = [1], strides = [1]} : vector<16xf32> to vector<1xf32>
            %squeeze3A_314 = vector.extract %slice3A_313[0] : f32 from vector<1xf32>
            %get3A_315 = arith.index_cast %add3A_193 : i32 to index
            %get3A_316 = arith.constant 208 : index
            %get3A_317 = tpu.vector_load %arg14[%get3A_315, %get3A_316] {strides = array<i32>} : memref<128x272xf32, #tpu.memory_space<vmem>>, vector<1x16xf32>,
            %get3A_318 = vector.shape_cast %get3A_317 : vector<1x16xf32> to vector<16xf32>
            %mul3A_319 = vector.broadcast %squeeze3A_314 : f32 to vector<16xf32>
            %mul3A_320 = arith.mulf %mul3A_319, %get3A_318 : vector<16xf32>
            %add3A_321 = arith.addf %add3A_285, %mul3A_320 : vector<16xf32>
            %slice3A_322 = vector.extract_strided_slice %get3A_196 {offsets = [14], sizes = [1], strides = [1]} : vector<16xf32> to vector<1xf32>
            %squeeze3A_323 = vector.extract %slice3A_322[0] : f32 from vector<1xf32>
            %get3A_324 = arith.index_cast %add3A_193 : i32 to index
            %get3A_325 = arith.constant 224 : index
            %get3A_326 = tpu.vector_load %arg14[%get3A_324, %get3A_325] {strides = array<i32>} : memref<128x272xf32, #tpu.memory_space<vmem>>, vector<1x16xf32>,
            %get3A_327 = vector.shape_cast %get3A_326 : vector<1x16xf32> to vector<16xf32>
            %mul3A_328 = vector.broadcast %squeeze3A_323 : f32 to vector<16xf32>
            %mul3A_329 = arith.mulf %mul3A_328, %get3A_327 : vector<16xf32>
            %add3A_330 = arith.addf %add3A_294, %mul3A_329 : vector<16xf32>
            %slice3A_331 = vector.extract_strided_slice %get3A_196 {offsets = [15], sizes = [1], strides = [1]} : vector<16xf32> to vector<1xf32>
            %squeeze3A_332 = vector.extract %slice3A_331[0] : f32 from vector<1xf32>
            %get3A_333 = arith.index_cast %add3A_193 : i32 to index
            %get3A_334 = arith.constant 240 : index
            %get3A_335 = tpu.vector_load %arg14[%get3A_333, %get3A_334] {strides = array<i32>} : memref<128x272xf32, #tpu.memory_space<vmem>>, vector<1x16xf32>,
            %get3A_336 = vector.shape_cast %get3A_335 : vector<1x16xf32> to vector<16xf32>
            %mul3A_337 = vector.broadcast %squeeze3A_332 : f32 to vector<16xf32>
            %mul3A_338 = arith.mulf %mul3A_337, %get3A_336 : vector<16xf32>
            %add3A_339 = arith.addf %add3A_303, %mul3A_338 : vector<16xf32>
            %add3A_340 = arith.addf %add3A_312, %add3A_321 : vector<16xf32>
            %add3A_341 = arith.addf %add3A_330, %add3A_339 : vector<16xf32>
            %add3A_342 = arith.addf %add3A_340, %add3A_341 : vector<16xf32>
            %swap3A = arith.index_cast %add3A_193 : i32 to index
            %swap3A_343 = arith.constant 0 : index
            %swap3A_344 = tpu.vector_load %arg18[%swap3A, %swap3A_343] {strides = array<i32>} : memref<128x16xf32, #tpu.memory_space<vmem>>, vector<1x16xf32>,
            %swap3A_345 = vector.shape_cast %swap3A_344 : vector<1x16xf32> to vector<16xf32>
            %swap3A_346 = vector.shape_cast %add3A_342 : vector<16xf32> to vector<1x16xf32>
            tpu.vector_store %arg18[%swap3A, %swap3A_343], %swap3A_346 {strides = array<i32>} : memref<128x16xf32, #tpu.memory_space<vmem>>, vector<1x16xf32>,
          }
          %scan3A_169 = arith.constant 128 : i32
          %add3A_170 = arith.constant 2 : i32
          %add3A_171 = arith.addi %add3A_142, %add3A_170 : i32
          %lt3A_172 = arith.constant 10 : i32
          %lt3A_173 = arith.cmpi slt, %add3A_171, %lt3A_172 : i32
          %convert_element_type3A_174 = arith.extui %lt3A_173 : i1 to i32
          %cond3A_175 = arith.constant 0 : i32
          %cond3A_176 = arith.cmpi ne, %convert_element_type3A_174, %cond3A_175 : i32
          scf.if %cond3A_176 {
            %add3A_189 = arith.constant 2 : i32
            %add3A_190 = arith.addi %add3A_142, %add3A_189 : i32
            %mul3A_191 = arith.constant 128 : i32
            %mul3A_192 = arith.muli %add3A_190, %mul3A_191 : i32
            %add3A_193 = arith.addi %mul3A_2, %mul3A_192 : i32
            %dma_start3A_194 = arith.constant 0 : i32
            %dma_start3A_195 = tpu.memref_slice %arg3[%add3A_193, %dma_start3A_194] : memref<160000x16xf32, #tpu.memory_space<hbm>> -> memref<128x16xf32, #tpu.memory_space<hbm>>
            %dma_start3A_196 = arith.constant 0 : i32
            %dma_start3A_197 = tpu.memref_slice %arg3[%add3A_193, %dma_start3A_196] : memref<160000x16xf32, #tpu.memory_space<hbm>> -> memref<128x16xf32, #tpu.memory_space<hbm>>
            tpu.enqueue_dma source(%dma_start3A_197 : memref<128x16xf32, #tpu.memory_space<hbm>>) target(%arg16 : memref<128x16xf32, #tpu.memory_space<vmem>>) target_semaphore(%arg24 : memref<!tpu.dma_semaphore, #tpu.memory_space<semaphore_mem>>)
            %dma_start3A_198 = arith.constant 0 : i32
            %dma_start3A_199 = tpu.memref_slice %arg11[%add3A_190, %dma_start3A_198] : memref<40x128xi32, #tpu.memory_space<vmem>> -> memref<1x128xi32, #tpu.memory_space<vmem>>
            %dma_start3A_200 = tpu.memref_squeeze %dma_start3A_199 : memref<1x128xi32, #tpu.memory_space<vmem>> -> memref<128xi32, #tpu.memory_space<vmem>>
            %dma_start3A_201 = arith.constant 0 : i32
            %dma_start3A_202 = arith.constant 0 : i32
            %dma_start3A_203 = tpu.memref_slice %arg2[%dma_start3A_201, %dma_start3A_202] : memref<10000x272xf32, #tpu.memory_space<hbm>> -> memref<10000x272xf32, #tpu.memory_space<hbm>>
            tpu.enqueue_indirect_dma source(%dma_start3A_203 : memref<10000x272xf32, #tpu.memory_space<hbm>>) target(%arg14 : memref<128x272xf32, #tpu.memory_space<vmem>>) offsets(%dma_start3A_200 : memref<128xi32, #tpu.memory_space<vmem>>) semaphore(%arg22 : memref<!tpu.dma_semaphore, #tpu.memory_space<semaphore_mem>>)
          } else {
          }
          %dma_start3A_177 = arith.constant 0 : i32
          %dma_start3A_178 = tpu.memref_slice %arg12[%add3A_142, %dma_start3A_177] : memref<40x128xi32, #tpu.memory_space<vmem>> -> memref<1x128xi32, #tpu.memory_space<vmem>>
          %dma_start3A_179 = tpu.memref_squeeze %dma_start3A_178 : memref<1x128xi32, #tpu.memory_space<vmem>> -> memref<128xi32, #tpu.memory_space<vmem>>
          %dma_start3A_180 = arith.constant 0 : i32
          %dma_start3A_181 = arith.constant 0 : i32
          %dma_start3A_182 = tpu.memref_slice %arg9[%dma_start3A_180, %dma_start3A_181] : memref<10112x16xf32, #tpu.memory_space<vmem_shared>> -> memref<10112x16xf32, #tpu.memory_space<vmem_shared>>
          tpu.enqueue_indirect_dma source(%arg18 : memref<128x16xf32, #tpu.memory_space<vmem>>) target(%dma_start3A_182 : memref<10112x16xf32, #tpu.memory_space<vmem_shared>>) offsets(%dma_start3A_179 : memref<128xi32, #tpu.memory_space<vmem>>) semaphore(%arg26 : memref<!tpu.dma_semaphore, #tpu.memory_space<semaphore_mem>>) {add = true}
          %dma_start3A_183 = arith.constant 0 : i32
          %dma_start3A_184 = tpu.memref_slice %arg12[%add3A_142, %dma_start3A_183] : memref<40x128xi32, #tpu.memory_space<vmem>> -> memref<1x128xi32, #tpu.memory_space<vmem>>
          %dma_start3A_185 = tpu.memref_squeeze %dma_start3A_184 : memref<1x128xi32, #tpu.memory_space<vmem>> -> memref<128xi32, #tpu.memory_space<vmem>>
          %dma_start3A_186 = arith.constant 0 : i32
          %dma_start3A_187 = arith.constant 0 : i32
          %dma_start3A_188 = tpu.memref_slice %arg10[%dma_start3A_186, %dma_start3A_187] : memref<10112x16xf32, #tpu.memory_space<vmem_shared>> -> memref<10112x16xf32, #tpu.memory_space<vmem_shared>>
          tpu.enqueue_indirect_dma source(%arg19 : memref<128x16xf32, #tpu.memory_space<vmem>>) target(%dma_start3A_188 : memref<10112x16xf32, #tpu.memory_space<vmem_shared>>) offsets(%dma_start3A_185 : memref<128xi32, #tpu.memory_space<vmem>>) semaphore(%arg27 : memref<!tpu.dma_semaphore, #tpu.memory_space<semaphore_mem>>) {add = true}
        } else {
        }
      }
      %scan3A_109 = arith.constant 5 : i32
      %dma_wait3A_110 = arith.constant 0 : i32
      %dma_wait3A_111 = arith.constant 0 : i32
      %dma_wait3A_112 = tpu.memref_slice %arg12[%dma_wait3A_110, %dma_wait3A_111] : memref<40x128xi32, #tpu.memory_space<vmem>> -> memref<1x128xi32, #tpu.memory_space<vmem>>
      %dma_wait3A_113 = tpu.memref_squeeze %dma_wait3A_112 : memref<1x128xi32, #tpu.memory_space<vmem>> -> memref<128xi32, #tpu.memory_space<vmem>>
      %dma_wait3A_114 = arith.constant 0 : i32
      %dma_wait3A_115 = arith.constant 0 : i32
      %dma_wait3A_116 = tpu.memref_slice %arg9[%dma_wait3A_114, %dma_wait3A_115] : memref<10112x16xf32, #tpu.memory_space<vmem_shared>> -> memref<10112x16xf32, #tpu.memory_space<vmem_shared>>
      tpu.wait_indirect_dma semaphore(%arg26 : memref<!tpu.dma_semaphore, #tpu.memory_space<semaphore_mem>>) src(%arg18 : memref<128x16xf32, #tpu.memory_space<vmem>>) dst(%dma_wait3A_116 : memref<10112x16xf32, #tpu.memory_space<vmem_shared>>)
      %dma_wait3A_117 = arith.constant 0 : i32
      %dma_wait3A_118 = arith.constant 0 : i32
      %dma_wait3A_119 = tpu.memref_slice %arg12[%dma_wait3A_117, %dma_wait3A_118] : memref<40x128xi32, #tpu.memory_space<vmem>> -> memref<1x128xi32, #tpu.memory_space<vmem>>
      %dma_wait3A_120 = tpu.memref_squeeze %dma_wait3A_119 : memref<1x128xi32, #tpu.memory_space<vmem>> -> memref<128xi32, #tpu.memory_space<vmem>>
      %dma_wait3A_121 = arith.constant 0 : i32
      %dma_wait3A_122 = arith.constant 0 : i32
      %dma_wait3A_123 = tpu.memref_slice %arg9[%dma_wait3A_121, %dma_wait3A_122] : memref<10112x16xf32, #tpu.memory_space<vmem_shared>> -> memref<10112x16xf32, #tpu.memory_space<vmem_shared>>
      tpu.wait_indirect_dma semaphore(%arg25 : memref<!tpu.dma_semaphore, #tpu.memory_space<semaphore_mem>>) src(%arg17 : memref<128x16xf32, #tpu.memory_space<vmem>>) dst(%dma_wait3A_123 : memref<10112x16xf32, #tpu.memory_space<vmem_shared>>)
      %scan3A_124 = arith.constant 0 : i32
      %scan3A_125 = arith.constant 10 : i32
      %scan3A_126 = arith.addi %scan3A_124, %scan3A_125 : i32
      %scan3A_127 = arith.constant 1 : i32
      scf.for %scan3A_129 = %scan3A_124 to %scan3A_126 step %scan3A_127  : i32 {
        %mul3A_130 = arith.constant 1 : i32
        %mul3A_131 = arith.muli %scan3A_129, %mul3A_130 : i32
        %add3A_132 = arith.constant 0 : i32
        %add3A_133 = arith.addi %add3A_132, %mul3A_131 : i32
        %dma_wait3A_134 = arith.constant 0 : i32
        %dma_wait3A_135 = arith.constant 0 : i32
        %dma_wait3A_136 = tpu.memref_slice %arg12[%dma_wait3A_134, %dma_wait3A_135] : memref<40x128xi32, #tpu.memory_space<vmem>> -> memref<1x128xi32, #tpu.memory_space<vmem>>
        %dma_wait3A_137 = tpu.memref_squeeze %dma_wait3A_136 : memref<1x128xi32, #tpu.memory_space<vmem>> -> memref<128xi32, #tpu.memory_space<vmem>>
        %dma_wait3A_138 = arith.constant 0 : i32
        %dma_wait3A_139 = arith.constant 0 : i32
        %dma_wait3A_140 = tpu.memref_slice %arg10[%dma_wait3A_138, %dma_wait3A_139] : memref<10112x16xf32, #tpu.memory_space<vmem_shared>> -> memref<10112x16xf32, #tpu.memory_space<vmem_shared>>
        tpu.wait_indirect_dma semaphore(%arg27 : memref<!tpu.dma_semaphore, #tpu.memory_space<semaphore_mem>>) src(%arg19 : memref<128x16xf32, #tpu.memory_space<vmem>>) dst(%dma_wait3A_140 : memref<10112x16xf32, #tpu.memory_space<vmem_shared>>)
      }
      %scan3A_128 = arith.constant 10 : i32
    } else {
    }
    %barrier3A_13 = arith.constant 0 : index
    tpu.barrier barrier_id(%barrier3A_13)
    %mul3A_14 = arith.constant 632 : i32
    %mul3A_15 = arith.muli %arg1, %mul3A_14 : i32
    "tpu.region"() ({
      %run_scoped3A = tpu.sem_alloc : memref<!tpu.dma_semaphore, #tpu.memory_space<semaphore_mem>>
      %dma_start3A = arith.constant 0 : i32
      %dma_start3A_22 = tpu.memref_slice %arg9[%mul3A_15, %dma_start3A] : memref<10112x16xf32, #tpu.memory_space<vmem_shared>> -> memref<632x16xf32, #tpu.memory_space<vmem_shared>>
      %dma_start3A_23 = arith.constant 0 : i32
      %dma_start3A_24 = tpu.memref_slice %arg9[%mul3A_15, %dma_start3A_23] : memref<10112x16xf32, #tpu.memory_space<vmem_shared>> -> memref<632x16xf32, #tpu.memory_space<vmem_shared>>
      tpu.enqueue_dma source(%dma_start3A_24 : memref<632x16xf32, #tpu.memory_space<vmem_shared>>) target(%arg20 : memref<632x16xf32, #tpu.memory_space<vmem>>) target_semaphore(%run_scoped3A : memref<!tpu.dma_semaphore, #tpu.memory_space<semaphore_mem>>)
      %dma_wait3A = arith.constant 0 : i32
      %dma_wait3A_25 = tpu.memref_slice %arg9[%mul3A_15, %dma_wait3A] : memref<10112x16xf32, #tpu.memory_space<vmem_shared>> -> memref<632x16xf32, #tpu.memory_space<vmem_shared>>
      %dma_wait3A_26 = arith.constant 0 : i32
      %dma_wait3A_27 = tpu.memref_slice %arg9[%mul3A_15, %dma_wait3A_26] : memref<10112x16xf32, #tpu.memory_space<vmem_shared>> -> memref<632x16xf32, #tpu.memory_space<vmem_shared>>
      tpu.wait_dma2 semaphore(%run_scoped3A : memref<!tpu.dma_semaphore, #tpu.memory_space<semaphore_mem>>) src(%dma_wait3A_27 : memref<632x16xf32, #tpu.memory_space<vmem_shared>>) dst(%arg20 : memref<632x16xf32, #tpu.memory_space<vmem>>)
      tpu.yield
    }) : () -> ()
    %mul3A_16 = arith.constant 632 : i32
    %mul3A_17 = arith.muli %arg1, %mul3A_16 : i32
    "tpu.region"() ({
      %run_scoped3A = tpu.sem_alloc : memref<!tpu.dma_semaphore, #tpu.memory_space<semaphore_mem>>
      %dma_start3A = arith.constant 0 : i32
      %dma_start3A_22 = tpu.memref_slice %arg7[%arg0, %mul3A_17, %dma_start3A] : memref<2x10112x16xf32, #tpu.memory_space<hbm>> -> memref<1x632x16xf32, #tpu.memory_space<hbm>>
      %dma_start3A_23 = tpu.memref_squeeze %dma_start3A_22 : memref<1x632x16xf32, #tpu.memory_space<hbm>> -> memref<632x16xf32, #tpu.memory_space<hbm>>
      %dma_start3A_24 = arith.constant 0 : i32
      %dma_start3A_25 = tpu.memref_slice %arg7[%arg0, %mul3A_17, %dma_start3A_24] : memref<2x10112x16xf32, #tpu.memory_space<hbm>> -> memref<1x632x16xf32, #tpu.memory_space<hbm>>
      %dma_start3A_26 = tpu.memref_squeeze %dma_start3A_25 : memref<1x632x16xf32, #tpu.memory_space<hbm>> -> memref<632x16xf32, #tpu.memory_space<hbm>>
      tpu.enqueue_dma source(%arg20 : memref<632x16xf32, #tpu.memory_space<vmem>>) target(%dma_start3A_26 : memref<632x16xf32, #tpu.memory_space<hbm>>) target_semaphore(%run_scoped3A : memref<!tpu.dma_semaphore, #tpu.memory_space<semaphore_mem>>)
      %dma_wait3A = arith.constant 0 : i32
      %dma_wait3A_27 = tpu.memref_slice %arg7[%arg0, %mul3A_17, %dma_wait3A] : memref<2x10112x16xf32, #tpu.memory_space<hbm>> -> memref<1x632x16xf32, #tpu.memory_space<hbm>>
      %dma_wait3A_28 = tpu.memref_squeeze %dma_wait3A_27 : memref<1x632x16xf32, #tpu.memory_space<hbm>> -> memref<632x16xf32, #tpu.memory_space<hbm>>
      %dma_wait3A_29 = arith.constant 0 : i32
      %dma_wait3A_30 = tpu.memref_slice %arg7[%arg0, %mul3A_17, %dma_wait3A_29] : memref<2x10112x16xf32, #tpu.memory_space<hbm>> -> memref<1x632x16xf32, #tpu.memory_space<hbm>>
      %dma_wait3A_31 = tpu.memref_squeeze %dma_wait3A_30 : memref<1x632x16xf32, #tpu.memory_space<hbm>> -> memref<632x16xf32, #tpu.memory_space<hbm>>
      tpu.wait_dma2 semaphore(%run_scoped3A : memref<!tpu.dma_semaphore, #tpu.memory_space<semaphore_mem>>) src(%arg20 : memref<632x16xf32, #tpu.memory_space<vmem>>) dst(%dma_wait3A_31 : memref<632x16xf32, #tpu.memory_space<hbm>>)
      tpu.yield
    }) : () -> ()
    %mul3A_18 = arith.constant 632 : i32
    %mul3A_19 = arith.muli %arg1, %mul3A_18 : i32
    "tpu.region"() ({
      %run_scoped3A = tpu.sem_alloc : memref<!tpu.dma_semaphore, #tpu.memory_space<semaphore_mem>>
      %dma_start3A = arith.constant 0 : i32
      %dma_start3A_22 = tpu.memref_slice %arg10[%mul3A_19, %dma_start3A] : memref<10112x16xf32, #tpu.memory_space<vmem_shared>> -> memref<632x16xf32, #tpu.memory_space<vmem_shared>>
      %dma_start3A_23 = arith.constant 0 : i32
      %dma_start3A_24 = tpu.memref_slice %arg10[%mul3A_19, %dma_start3A_23] : memref<10112x16xf32, #tpu.memory_space<vmem_shared>> -> memref<632x16xf32, #tpu.memory_space<vmem_shared>>
      tpu.enqueue_dma source(%dma_start3A_24 : memref<632x16xf32, #tpu.memory_space<vmem_shared>>) target(%arg20 : memref<632x16xf32, #tpu.memory_space<vmem>>) target_semaphore(%run_scoped3A : memref<!tpu.dma_semaphore, #tpu.memory_space<semaphore_mem>>)
      %dma_wait3A = arith.constant 0 : i32
      %dma_wait3A_25 = tpu.memref_slice %arg10[%mul3A_19, %dma_wait3A] : memref<10112x16xf32, #tpu.memory_space<vmem_shared>> -> memref<632x16xf32, #tpu.memory_space<vmem_shared>>
      %dma_wait3A_26 = arith.constant 0 : i32
      %dma_wait3A_27 = tpu.memref_slice %arg10[%mul3A_19, %dma_wait3A_26] : memref<10112x16xf32, #tpu.memory_space<vmem_shared>> -> memref<632x16xf32, #tpu.memory_space<vmem_shared>>
      tpu.wait_dma2 semaphore(%run_scoped3A : memref<!tpu.dma_semaphore, #tpu.memory_space<semaphore_mem>>) src(%dma_wait3A_27 : memref<632x16xf32, #tpu.memory_space<vmem_shared>>) dst(%arg20 : memref<632x16xf32, #tpu.memory_space<vmem>>)
      tpu.yield
    }) : () -> ()
    %mul3A_20 = arith.constant 632 : i32
    %mul3A_21 = arith.muli %arg1, %mul3A_20 : i32
    "tpu.region"() ({
      %run_scoped3A = tpu.sem_alloc : memref<!tpu.dma_semaphore, #tpu.memory_space<semaphore_mem>>
      %dma_start3A = arith.constant 0 : i32
      %dma_start3A_22 = tpu.memref_slice %arg8[%arg0, %mul3A_21, %dma_start3A] : memref<2x10112x16xf32, #tpu.memory_space<hbm>> -> memref<1x632x16xf32, #tpu.memory_space<hbm>>
      %dma_start3A_23 = tpu.memref_squeeze %dma_start3A_22 : memref<1x632x16xf32, #tpu.memory_space<hbm>> -> memref<632x16xf32, #tpu.memory_space<hbm>>
      %dma_start3A_24 = arith.constant 0 : i32
      %dma_start3A_25 = tpu.memref_slice %arg8[%arg0, %mul3A_21, %dma_start3A_24] : memref<2x10112x16xf32, #tpu.memory_space<hbm>> -> memref<1x632x16xf32, #tpu.memory_space<hbm>>
      %dma_start3A_26 = tpu.memref_squeeze %dma_start3A_25 : memref<1x632x16xf32, #tpu.memory_space<hbm>> -> memref<632x16xf32, #tpu.memory_space<hbm>>
      tpu.enqueue_dma source(%arg20 : memref<632x16xf32, #tpu.memory_space<vmem>>) target(%dma_start3A_26 : memref<632x16xf32, #tpu.memory_space<hbm>>) target_semaphore(%run_scoped3A : memref<!tpu.dma_semaphore, #tpu.memory_space<semaphore_mem>>)
      %dma_wait3A = arith.constant 0 : i32
      %dma_wait3A_27 = tpu.memref_slice %arg8[%arg0, %mul3A_21, %dma_wait3A] : memref<2x10112x16xf32, #tpu.memory_space<hbm>> -> memref<1x632x16xf32, #tpu.memory_space<hbm>>
      %dma_wait3A_28 = tpu.memref_squeeze %dma_wait3A_27 : memref<1x632x16xf32, #tpu.memory_space<hbm>> -> memref<632x16xf32, #tpu.memory_space<hbm>>
      %dma_wait3A_29 = arith.constant 0 : i32
      %dma_wait3A_30 = tpu.memref_slice %arg8[%arg0, %mul3A_21, %dma_wait3A_29] : memref<2x10112x16xf32, #tpu.memory_space<hbm>> -> memref<1x632x16xf32, #tpu.memory_space<hbm>>
      %dma_wait3A_31 = tpu.memref_squeeze %dma_wait3A_30 : memref<1x632x16xf32, #tpu.memory_space<hbm>> -> memref<632x16xf32, #tpu.memory_space<hbm>>
      tpu.wait_dma2 semaphore(%run_scoped3A : memref<!tpu.dma_semaphore, #tpu.memory_space<semaphore_mem>>) src(%arg20 : memref<632x16xf32, #tpu.memory_space<vmem>>) dst(%dma_wait3A_31 : memref<632x16xf32, #tpu.memory_space<hbm>>)
      tpu.yield
    }) : () -> ()
    return
  }
}

module attributes {stable_mosaic.version = 14 : i64} {
  func.func @_pre_body(%arg0: i32, %arg1: memref<2000x16xf32, #tpu.memory_space<vmem>>, %arg2: memref<16x256xf32, #tpu.memory_space<vmem>>, %arg3: memref<16x16xf32, #tpu.memory_space<vmem>>, %arg4: memref<2000x272xf32, #tpu.memory_space<vmem>>) attributes {dimension_semantics = [#tpu.dimension_semantics<arbitrary>], iteration_bounds = array<i64: 5>, scalar_prefetch = 0 : i64, scratch_operands = 0 : i64, tpu.core_type = #tpu.core_type<tc>, window_params = [{transform_indices = @transform_0, window_bounds = array<i64: 2000, 16>}, {pipeline_mode = #tpu.pipeline_mode<synchronous>, transform_indices = @transform_1, window_bounds = array<i64: 16, 256>}, {pipeline_mode = #tpu.pipeline_mode<synchronous>, transform_indices = @transform_2, window_bounds = array<i64: 16, 16>}, {transform_indices = @transform_3, window_bounds = array<i64: 2000, 272>}]} {
    %get3A = arith.constant 0 : index
    %get3A_0 = arith.constant 0 : index
    %get3A_1 = vector.load %arg1[%get3A, %get3A_0] : memref<2000x16xf32, #tpu.memory_space<vmem>>, vector<2000x16xf32>
    %get3A_2 = arith.constant 0 : index
    %get3A_3 = arith.constant 0 : index
    %get3A_4 = vector.load %arg2[%get3A_2, %get3A_3] : memref<16x256xf32, #tpu.memory_space<vmem>>, vector<16x256xf32>
    %dot_general3A = arith.constant dense<0.000000e+00> : vector<2000x256xf32>
    %dot_general3A_5 = tpu.matmul %get3A_1, %get3A_4, %dot_general3A {dimension_numbers = #tpu.dot_dimension_numbers<[1], [0], [0], [1], [0, 0, 1, 1], [], []>, transpose_lhs_hint = false} : vector<2000x16xf32>, vector<16x256xf32>, vector<2000x256xf32> -> vector<2000x256xf32>
    %get3A_6 = arith.constant 0 : index
    %get3A_7 = arith.constant 0 : index
    %get3A_8 = vector.load %arg3[%get3A_6, %get3A_7] : memref<16x16xf32, #tpu.memory_space<vmem>>, vector<16x16xf32>
    %dot_general3A_9 = arith.constant dense<0.000000e+00> : vector<2000x16xf32>
    %dot_general3A_10 = tpu.matmul %get3A_1, %get3A_8, %dot_general3A_9 {dimension_numbers = #tpu.dot_dimension_numbers<[1], [0], [0], [1], [0, 0, 1, 1], [], []>, transpose_lhs_hint = false} : vector<2000x16xf32>, vector<16x16xf32>, vector<2000x16xf32> -> vector<2000x16xf32>
    %concatenate3A = tpu.concatenate %dot_general3A_5, %dot_general3A_10 in 1 : vector<2000x256xf32>, vector<2000x16xf32> -> vector<2000x272xf32>
    %swap3A = arith.constant 0 : index
    %swap3A_11 = arith.constant 0 : index
    %swap3A_12 = vector.load %arg4[%swap3A, %swap3A_11] : memref<2000x272xf32, #tpu.memory_space<vmem>>, vector<2000x272xf32>
    tpu.vector_store %arg4[%swap3A, %swap3A_11], %concatenate3A {strides = array<i32>} : memref<2000x272xf32, #tpu.memory_space<vmem>>, vector<2000x272xf32>,
    return
  }
  func.func @transform_0(%arg0: i32) -> (i32, i32) {
    %c0_i32 = arith.constant 0 : i32
    %c0_i32_0 = arith.constant 0 : i32
    return %arg0, %c0_i32 : i32, i32
  }
  func.func @transform_1(%arg0: i32) -> (i32, i32) {
    %c0_i32 = arith.constant 0 : i32
    %c0_i32_0 = arith.constant 0 : i32
    %c0_i32_1 = arith.constant 0 : i32
    return %c0_i32, %c0_i32_0 : i32, i32
  }
  func.func @transform_2(%arg0: i32) -> (i32, i32) {
    %c0_i32 = arith.constant 0 : i32
    %c0_i32_0 = arith.constant 0 : i32
    %c0_i32_1 = arith.constant 0 : i32
    return %c0_i32, %c0_i32_0 : i32, i32
  }
  func.func @transform_3(%arg0: i32) -> (i32, i32) {
    %c0_i32 = arith.constant 0 : i32
    %c0_i32_0 = arith.constant 0 : i32
    return %arg0, %c0_i32 : i32, i32
  }
}

module attributes {stable_mosaic.version = 14 : i64} {
  func.func @_repack_body(%arg0: memref<2x160000xi32, #tpu.memory_space<vmem>>, %arg1: memref<2x1256x128xi32, #tpu.memory_space<vmem>>) attributes {dimension_semantics = [], scalar_prefetch = 0 : i64, scratch_operands = 0 : i64, tpu.core_type = #tpu.core_type<tc>} {
    %get3A = arith.constant 0 : index
    %get3A_0 = arith.constant 0 : index
    %get3A_1 = vector.load %arg0[%get3A, %get3A_0] : memref<2x160000xi32, #tpu.memory_space<vmem>>, vector<2x160000xi32>
    %reshape3A = vector.shape_cast %get3A_1 : vector<2x160000xi32> to vector<2x1250x128xi32>
    %broadcast_in_dim3A = arith.constant 0 : i32
    %broadcast_in_dim3A_2 = vector.broadcast %broadcast_in_dim3A : i32 to vector<2x6x128xi32>
    %concatenate3A = tpu.concatenate %reshape3A, %broadcast_in_dim3A_2 in 1 : vector<2x1250x128xi32>, vector<2x6x128xi32> -> vector<2x1256x128xi32>
    %swap3A = arith.constant 0 : index
    %swap3A_3 = arith.constant 0 : index
    %swap3A_4 = arith.constant 0 : index
    %swap3A_5 = vector.load %arg1[%swap3A, %swap3A_3, %swap3A_4] : memref<2x1256x128xi32, #tpu.memory_space<vmem>>, vector<2x1256x128xi32>
    tpu.vector_store %arg1[%swap3A, %swap3A_3, %swap3A_4], %concatenate3A {strides = array<i32>} : memref<2x1256x128xi32, #tpu.memory_space<vmem>>, vector<2x1256x128xi32>,
    return
  }
}

module attributes {stable_mosaic.version = 14 : i64} {
  func.func @_final_body(%arg0: memref<2x1264x128xf32, #tpu.memory_space<vmem>>, %arg1: memref<2x1264x128xf32, #tpu.memory_space<vmem>>, %arg2: memref<128x128xf32, #tpu.memory_space<vmem>>, %arg3: memref<1x128xf32, #tpu.memory_space<vmem>>, %arg4: memref<1x128xf32, #tpu.memory_space<vmem>>, %arg5: memref<1x128xf32, #tpu.memory_space<vmem>>, %arg6: memref<1250x128xf32, #tpu.memory_space<vmem>>) attributes {dimension_semantics = [], scalar_prefetch = 0 : i64, scratch_operands = 0 : i64, tpu.core_type = #tpu.core_type<tc>} {
    %get3A = arith.constant 0 : index
    %get3A_0 = arith.constant 0 : index
    %get3A_1 = arith.constant 0 : index
    %get3A_2 = vector.load %arg0[%get3A, %get3A_0, %get3A_1] : memref<2x1264x128xf32, #tpu.memory_space<vmem>>, vector<1x1264x128xf32>
    %get3A_3 = vector.shape_cast %get3A_2 : vector<1x1264x128xf32> to vector<1264x128xf32>
    %get3A_4 = arith.constant 1 : index
    %get3A_5 = arith.constant 0 : index
    %get3A_6 = arith.constant 0 : index
    %get3A_7 = vector.load %arg0[%get3A_4, %get3A_5, %get3A_6] : memref<2x1264x128xf32, #tpu.memory_space<vmem>>, vector<1x1264x128xf32>
    %get3A_8 = vector.shape_cast %get3A_7 : vector<1x1264x128xf32> to vector<1264x128xf32>
    %add3A = arith.addf %get3A_3, %get3A_8 : vector<1264x128xf32>
    %slice3A = vector.extract_strided_slice %add3A {offsets = [0, 0], sizes = [1250, 128], strides = [1, 1]} : vector<1264x128xf32> to vector<1250x128xf32>
    %get3A_9 = arith.constant 0 : index
    %get3A_10 = arith.constant 0 : index
    %get3A_11 = arith.constant 0 : index
    %get3A_12 = vector.load %arg1[%get3A_9, %get3A_10, %get3A_11] : memref<2x1264x128xf32, #tpu.memory_space<vmem>>, vector<1x1264x128xf32>
    %get3A_13 = vector.shape_cast %get3A_12 : vector<1x1264x128xf32> to vector<1264x128xf32>
    %get3A_14 = arith.constant 1 : index
    %get3A_15 = arith.constant 0 : index
    %get3A_16 = arith.constant 0 : index
    %get3A_17 = vector.load %arg1[%get3A_14, %get3A_15, %get3A_16] : memref<2x1264x128xf32, #tpu.memory_space<vmem>>, vector<1x1264x128xf32>
    %get3A_18 = vector.shape_cast %get3A_17 : vector<1x1264x128xf32> to vector<1264x128xf32>
    %add3A_19 = arith.addf %get3A_13, %get3A_18 : vector<1264x128xf32>
    %slice3A_20 = vector.extract_strided_slice %add3A_19 {offsets = [0, 0], sizes = [1250, 128], strides = [1, 1]} : vector<1264x128xf32> to vector<1250x128xf32>
    %max3A = arith.constant 1.000000e+00 : f32
    %max3A_21 = vector.broadcast %max3A : f32 to vector<1250x128xf32>
    %max3A_22 = arith.maximumf %slice3A_20, %max3A_21 : vector<1250x128xf32>
    %div3A = arith.divf %slice3A, %max3A_22 : vector<1250x128xf32>
    %get3A_23 = arith.constant 0 : index
    %get3A_24 = arith.constant 0 : index
    %get3A_25 = vector.load %arg3[%get3A_23, %get3A_24] : memref<1x128xf32, #tpu.memory_space<vmem>>, vector<1x128xf32>
    %add3A_26 = vector.broadcast %get3A_25 : vector<1x128xf32> to vector<1250x128xf32>
    %add3A_27 = arith.addf %div3A, %add3A_26 : vector<1250x128xf32>
    %reduce_sum3A = arith.constant dense<0.000000e+00> : vector<128xf32>
    %reduce_sum3A_28 = vector.multi_reduction <add>, %add3A_27, %reduce_sum3A [0] : vector<1250x128xf32> to vector<128xf32>
    %broadcast_in_dim3A = vector.shape_cast %reduce_sum3A_28 : vector<128xf32> to vector<1x128xf32>
    %mul3A = arith.mulf %add3A_27, %add3A_27 : vector<1250x128xf32>
    %reduce_sum3A_29 = arith.constant dense<0.000000e+00> : vector<128xf32>
    %reduce_sum3A_30 = vector.multi_reduction <add>, %mul3A, %reduce_sum3A_29 [0] : vector<1250x128xf32> to vector<128xf32>
    %broadcast_in_dim3A_31 = vector.shape_cast %reduce_sum3A_30 : vector<128xf32> to vector<1x128xf32>
    %get3A_32 = arith.constant 0 : index
    %get3A_33 = arith.constant 0 : index
    %get3A_34 = vector.load %arg2[%get3A_32, %get3A_33] : memref<128x128xf32, #tpu.memory_space<vmem>>, vector<128x128xf32>
    %dot_general3A = arith.constant dense<0.000000e+00> : vector<1x128xf32>
    %dot_general3A_35 = tpu.matmul %broadcast_in_dim3A, %get3A_34, %dot_general3A {dimension_numbers = #tpu.dot_dimension_numbers<[1], [0], [0], [1], [0, 0, 1, 1], [], []>, transpose_lhs_hint = false} : vector<1x128xf32>, vector<128x128xf32>, vector<1x128xf32> -> vector<1x128xf32>
    %get3A_36 = arith.constant 0 : index
    %get3A_37 = arith.constant 0 : index
    %get3A_38 = vector.load %arg2[%get3A_36, %get3A_37] : memref<128x128xf32, #tpu.memory_space<vmem>>, vector<128x128xf32>
    %dot_general3A_39 = arith.constant dense<0.000000e+00> : vector<1x128xf32>
    %dot_general3A_40 = tpu.matmul %broadcast_in_dim3A_31, %get3A_38, %dot_general3A_39 {dimension_numbers = #tpu.dot_dimension_numbers<[1], [0], [0], [1], [0, 0, 1, 1], [], []>, transpose_lhs_hint = false} : vector<1x128xf32>, vector<128x128xf32>, vector<1x128xf32> -> vector<1x128xf32>
    %mul3A_41 = arith.mulf %dot_general3A_35, %dot_general3A_35 : vector<1x128xf32>
    %sub3A = arith.subf %dot_general3A_40, %mul3A_41 : vector<1x128xf32>
    %add3A_42 = arith.constant 9.99999974E-6 : f32
    %add3A_43 = vector.broadcast %add3A_42 : f32 to vector<1x128xf32>
    %add3A_44 = arith.addf %sub3A, %add3A_43 : vector<1x128xf32>
    %rsqrt3A = math.rsqrt %add3A_44 : vector<1x128xf32>
    %sub3A_45 = vector.broadcast %dot_general3A_35 : vector<1x128xf32> to vector<1250x128xf32>
    %sub3A_46 = arith.subf %add3A_27, %sub3A_45 : vector<1250x128xf32>
    %mul3A_47 = vector.broadcast %rsqrt3A : vector<1x128xf32> to vector<1250x128xf32>
    %mul3A_48 = arith.mulf %sub3A_46, %mul3A_47 : vector<1250x128xf32>
    %get3A_49 = arith.constant 0 : index
    %get3A_50 = arith.constant 0 : index
    %get3A_51 = vector.load %arg4[%get3A_49, %get3A_50] : memref<1x128xf32, #tpu.memory_space<vmem>>, vector<1x128xf32>
    %mul3A_52 = vector.broadcast %get3A_51 : vector<1x128xf32> to vector<1250x128xf32>
    %mul3A_53 = arith.mulf %mul3A_48, %mul3A_52 : vector<1250x128xf32>
    %get3A_54 = arith.constant 0 : index
    %get3A_55 = arith.constant 0 : index
    %get3A_56 = vector.load %arg5[%get3A_54, %get3A_55] : memref<1x128xf32, #tpu.memory_space<vmem>>, vector<1x128xf32>
    %add3A_57 = vector.broadcast %get3A_56 : vector<1x128xf32> to vector<1250x128xf32>
    %add3A_58 = arith.addf %mul3A_53, %add3A_57 : vector<1250x128xf32>
    %swap3A = arith.constant 0 : index
    %swap3A_59 = arith.constant 0 : index
    %swap3A_60 = vector.load %arg6[%swap3A, %swap3A_59] : memref<1250x128xf32, #tpu.memory_space<vmem>>, vector<1250x128xf32>
    tpu.vector_store %arg6[%swap3A, %swap3A_59], %add3A_58 {strides = array<i32>} : memref<1250x128xf32, #tpu.memory_space<vmem>>, vector<1250x128xf32>,
    return
  }
}

</mosaic_0001>

<sc_bundles>
// kernel: kernel.6.cloned.1.call-start
scs
__scs_entry_jumppad:
0x0: {  	(pc) =	sbr.rel $0x88, $3  }
0x1: {  	(tag) =	ssettag $0x0;
	lr =	simm.s32 $0x1  }
0x2: {  	[smem:$0x3F99] =	sst lr;
	_ =	strace $0xD0000000  }
0x3: {  	_ = 	snop  }
0x4: {  	_ = 	snop  }
0x5: {  	_ = 	snop  }
0x6: {  	_ = 	snop  }
0x7: {  	_ = 	snop  }
__scs_overlays_trampoline_lowered:
0x8: {  	[smem:$0x3FA8] =	sst s0  }
0x9: {  	[smem:$0x3FA9] =	sst s1  }
0xa: {  	[smem:$0x3FAA] =	sst s2  }
0xb: {  	[smem:$0x3FAB] =	sst s3  }
0xc: {  	[smem:$0x3FAC] =	sst s4  }
0xd: {  	[smem:$0x3FAD] =	sst s5  }
0xe: {  	[smem:$0x3FAE] =	sst s6  }
0xf: {  	[smem:$0x3FAF] =	sst s7  }
0x10: {  	[smem:$0x3FB0] =	sst s8  }
0x11: {  	[smem:$0x3FB1] =	sst s9;
	s0 =	simm.s32 @!p0 $0x0  }
0x12: {  	s1 =	sld [smem:$0x3F97];
	s0 =	simm.s32 @p0 $0x1  }
0x13: {  	[smem:$0x3FB2] =	sst s0;
	s0 =	simm.s32 @!p1 $0x0  }
0x14: {  	s2 =	sld [smem:$0x3F96];
	s0 =	simm.s32 @p1 $0x1  }
0x15: {  	[smem:$0x3FB3] =	sst s0;
	s0 =	simm.s32 @!p2 $0x0  }
0x16: {  	s3 =	sld [smem:$0x3FDB];
	s0 =	simm.s32 @p2 $0x1  }
0x17: {  	s4 =	simm.s32 $0x1BF5;
	[smem:$0x3FB5] =	sst s0  }
0x18: {  	s0 =	sld [smem:$0x3F98];
	_ =	swait.ge [sflag:s4], $0x0  }
0x19: {  	s7 =	sld [smem:$0x3F99]  }
0x1a: {  	s8 =	sadd.s32 $0xFFFFE003, lr  }
0x1b: {  	s9 =	sadd.s32 $0xFFFFFEF7, lr;
	s5 =	simm.s32 $0xFFFFFFFF;
	p2 =	slt.u32 s8, $0xFFFFF086  }
0x1c: {  	p1 =	slt.u32 s9, $0xF7A;
	s5 =	simm.s32 @!p2 $0x0  }
0x1d: {  	s5 =	simm.s32 @p1 $0x1;
	p0 =	seq.s32 s7, s2  }
0x1e: {  	s7 =	smul.u32 @!p0 $0xF7A, s2;
	p2 =	seq.s32 @!p0 s5, $0x0  }
0x1f: {  	s9 =	smul.u32 $0xF7A, s1;
	s8 =	simm.s32 @!p0 $0x1BF5;
	p2 =	por !p2, p0  }
0x20: {  	[sflag:s8] =	ssyncset.s32 @!p0 $0xFFFFF086;
	s6 =	sadd.s32 @!p0 s3, s7;
	s7 =	simm.s32 @!p0 $0x108  }
0x21: {  	s3 =	sadd.s32 s3, s9;
	s6 =	sadd.s32 @!p0 $0x88, s6;
	s7 =	simm.s32 @p2 $0x1082  }
0x22: {  	[simem:s7], [sflag:s8] =	dma.local @!p0 [hbm:s6], $0xF7A  }
0x23: {  	s9 =	sor.u32 $0xD0000000, s2;
	s6 =	simm.s32 $0x108;
	_ =	swait.ge @!p0 [sflag:s8], $0x0  }
0x24: {  	s3 =	sadd.s32 $0x88, s3;
	s6 =	simm.s32 @!p1 $0x1082;
	[sflag:s4] =	ssyncset.s32 $0xFFFFF086  }
0x25: {  	[simem:s6], [sflag:s4] =	dma.local [hbm:s3], $0xF7A  }
0x26: {  	[smem:$0x3F99] =	sst s1;
	(tag) =	ssettag s2;
	_ =	strace s9  }
0x27: {  	s1 =	sld [smem:$0x3FA9]  }
0x28: {  	s2 =	sld [smem:$0x3FAA]  }
0x29: {  	s4 =	sld [smem:$0x3FAC]  }
0x2a: {  	p0 =	seq.s32 s5, $0x0;
	s5 =	sld [smem:$0x3FAD]  }
0x2b: {  	s6 =	sld [smem:$0x3FAE]  }
0x2c: {  	s7 =	sld [smem:$0x3FAF]  }
0x2d: {  	s3 =	simm.s32 $0x108;
	s8 =	sld [smem:$0x3FB0]  }
0x2e: {  	s3 =	simm.s32 @!p0 $0x1082;
	s9 =	sld [smem:$0x3FB1]  }
0x2f: {  	lr =	sadd.s32 s0, s3;
	s0 =	sld [smem:$0x3FA8]  }
0x30: {  	s3 =	sld [smem:$0x3FAB]  }
0x31: {  	[smem:$0x3FB4] =	sst s10  }
0x32: {  	s10 =	sld [smem:$0x3FB2];
	_ =	sdelay $0x3  }
0x33: {  	p0 =	seq.s32 s10, $0x1;
	s10 =	sld [smem:$0x3FB4];
	_ =	sdelay $0x3  }
0x34: {  	[smem:$0x3FB4] =	sst s10  }
0x35: {  	s10 =	sld [smem:$0x3FB3];
	_ =	sdelay $0x3  }
0x36: {  	p1 =	seq.s32 s10, $0x1;
	s10 =	sld [smem:$0x3FB4];
	_ =	sdelay $0x3  }
0x37: {  	[smem:$0x3FB4] =	sst s10  }
0x38: {  	s10 =	sld [smem:$0x3FB5]  }
0x39: {  	_ = 	snop;
	(pc) =	sbr.ind lr, $3  }
0x3a: {  	_ = 	snop  }
0x3b: {  	_ = 	snop  }
0x3c: {  	p2 =	seq.s32 s10, $0x1;
	s10 =	sld [smem:$0x3FB4]  }
0x3d: {  	_ =	shalt  }
0x3e: {  	_ =	shalt  }
0x3f: {  	_ =	shalt  }
0x40: {  	_ =	shalt  }
0x41: {  	_ =	shalt  }
0x42: {  	_ =	shalt  }
0x43: {  	_ =	shalt  }
0x44: {  	_ =	shalt  }
0x45: {  	_ =	shalt  }
0x46: {  	_ =	shalt  }
0x47: {  	_ =	shalt  }
0x48: {  	_ =	shalt  }
0x49: {  	_ =	shalt  }
0x4a: {  	_ =	shalt  }
0x4b: {  	_ =	shalt  }
0x4c: {  	_ =	shalt  }
0x4d: {  	_ =	shalt  }
0x4e: {  	_ =	shalt  }
0x4f: {  	_ =	shalt  }
0x50: {  	_ =	shalt  }
0x51: {  	_ =	shalt  }
0x52: {  	_ =	shalt  }
0x53: {  	_ =	shalt  }
0x54: {  	_ =	shalt  }
0x55: {  	_ =	shalt  }
0x56: {  	_ =	shalt  }
0x57: {  	_ =	shalt  }
0x58: {  	_ =	shalt  }
0x59: {  	_ =	shalt  }
0x5a: {  	_ =	shalt  }
0x5b: {  	_ =	shalt  }
0x5c: {  	_ =	shalt  }
0x5d: {  	_ =	shalt  }
0x5e: {  	_ =	shalt  }
0x5f: {  	_ =	shalt  }
0x60: {  	_ =	shalt  }
0x61: {  	_ =	shalt  }
0x62: {  	_ =	shalt  }
0x63: {  	_ =	shalt  }
0x64: {  	_ =	shalt  }
0x65: {  	_ =	shalt  }
0x66: {  	_ =	shalt  }
0x67: {  	_ =	shalt  }
0x68: {  	_ =	shalt  }
0x69: {  	_ =	shalt  }
0x6a: {  	_ =	shalt  }
0x6b: {  	_ =	shalt  }
0x6c: {  	_ =	shalt  }
0x6d: {  	_ =	shalt  }
0x6e: {  	_ =	shalt  }
0x6f: {  	_ =	shalt  }
0x70: {  	_ =	shalt  }
0x71: {  	_ =	shalt  }
0x72: {  	_ =	shalt  }
0x73: {  	_ =	shalt  }
0x74: {  	_ =	shalt  }
0x75: {  	_ =	shalt  }
0x76: {  	_ =	shalt  }
0x77: {  	_ =	shalt  }
0x78: {  	_ =	shalt  }
0x79: {  	_ =	shalt  }
0x7a: {  	_ =	shalt  }
0x7b: {  	_ =	shalt  }
0x7c: {  	_ =	shalt  }
0x7d: {  	_ =	shalt  }
0x7e: {  	_ =	shalt  }
0x7f: {  	_ =	shalt  }
0x80: {  	_ =	shalt  }
0x81: {  	_ =	shalt  }
0x82: {  	_ =	shalt  }
0x83: {  	_ =	shalt  }
0x84: {  	_ =	shalt  }
0x85: {  	_ =	shalt  }
0x86: {  	_ =	shalt  }
0x87: {  	_ =	shalt  }
.Lfunc_end0:
.L_simem_size_0:
called_computation_lowered:
.L_overlay_start_0:
0x88: {  	s2 =	sld [smem:$0x3FD9]  }
0x89: {  	s3 =	sld [smem:$0x3FFE];
	_ =	sdelay $0x1  }
0x8a: {  	s1 =	srdreg.scid  }
0x8b: {  	s0 =	sand.u32 $0x1, s1  }
0x8c: {  	s17 =	sshll.u32 s0, $0xA;
	s2 =	sadd.s32 s3, s2  }
0x8d: {  	s2 =	sadd.s32 s2, s17  }
0x8e: {  	[smem:$0x3FC0] =	sst s2  }
0x8f: {  	_ = 	snop  }
0x90: {  	s2 =	sld [smem:$0x3FD0];
	(tm) =	ssettm $0x1  }
0x91: {  	s18 =	sld [smem:$0x3FFB];
	_ =	sdelay $0x3  }
0x92: {  	_ =	strace s18  }
0x93: {  	s3 =	sld [smem:$0x3FFC];
	_ =	sdelay $0x3  }
0x94: {  	_ =	strace s3  }
0x95: {  	s3 =	sld [smem:$0x3FFD];
	_ =	sdelay $0x3  }
0x96: {  	_ =	strace s3  }
0x97: {  	_ =	strace $0x8FFFFFFF  }
0x98: {  	s19 =	sld [smem:$0x3FDB];
	_ =	sdelay $0x1  }
0x99: {  	s4 =	simm.s32 $_scs_section_size  }
0x9a: {  	s5 =	simm.s32 $_size__tile_overlayer_lowered;
	s6 =	simm.s32 $_tile_overlayer_lowered  }
0x9b: {  	s22 =	simm.s32 $0x1BFF;
	s21 =	sshll.u32 s6, $0x1;
	s3 =	sadd.s32 s4, s19  }
0x9c: {  	s7 =	simm.s32 $0x0;
	s20 =	sshll.u32 s5, $0x1;
	s5 =	sadd.s32 s21, s3  }
0x9d: {  	[timem:s7], [sflag:s22] =	dma.local [hbm:s5], s20  }
0x9e: {  	_ =	swait.ge [sflag:s22], s20  }
0x9f: {  	s4 =	ssub.s32 $0x0, s20;
	[sflag:s22] =	ssyncset.done $0x0  }
0xa0: {  	[sflag:s22] =	ssyncadd.s32 s4;
	_ =	sdelay $0x1  }
0xa1: {  	s23 =	simm.s32 $0x1B8B  }
0xa2: {  	_ =	swait.ge [sflag:s23], $0x1  }
0xa3: {  	[sflag:s23] =	ssyncset.done $0x0  }
0xa4: {  	s25 =	simm.s32 $0x1B8E;
	s24 =	sld [smem:$0x3FFE];
	[sflag:s23] =	ssyncadd.s32 $0xFFFFFFFF  }
0xa5: {  	s26 =	simm.s32 $execute0_lowered;
	[smem:$0x3FD2] =	sst s25  }
0xa6: {  	s5 =	sshll.u32 s26, $0x1;
	_ =	strace $0x80000046;
	[dreg:$0x1] =	wrdreg $0xFFFFFFFF  }
0xa7: {  	s28 =	simm.s32 $_size_execute0_lowered;
	s3 =	sadd.s32 s3, s5;
	[dreg:$0x0] =	wrdreg $0x0  }
0xa8: {  	s5 =	sshll.u32 s28, $0x1;
	[dreg:$0x2] =	wrdreg s3  }
0xa9: {  	[dreg:$0x3] =	wrdreg s5  }
0xaa: {  	[dreg:$0x4] =	wrdreg $0xC0  }
0xab: {  	_ =	task [dreg:s7], $0x5FFFF  }
0xac: {  	[dreg:$0x1] =	wrdreg $0xFFFFFFFF  }
0xad: {  	[dreg:$0x0] =	wrdreg $0x60  }
0xae: {  	[dreg:$0x2] =	wrdreg s24  }
0xaf: {  	[dreg:$0x3] =	wrdreg s2  }
0xb0: {  	[dreg:$0x4] =	wrdreg $0x0  }
0xb1: {  	[dreg:$0x5] =	wrdreg $0x27800  }
0xb2: {  	[dreg:$0x6] =	wrdreg $0x9  }
0xb3: {  	_ =	task.clear_ibuf [dreg:s7], $0x7FFFF;
	_ =	strace $0x90000046  }
0xb4: {  	s29 =	simm.s32 $0x9;
	_ =	strace $0x80000048  }
0xb5: {  	_ =	swait.ge [sflag:s29], $0x1  }
0xb6: {  	[sflag:s29] =	ssyncadd.s32 $0xFFFFFFFF  }
0xb7: {  	_ =	strace $0x90000048  }
0xb8: {  	_ =	sfence  }
0xb9: {  	s30 =	sld [smem:$0x0];
	_ =	sdelay $0x2  }
0xba: {  	s31 =	sshll.u32 s1, $0xD;
	s1 =	sshrl.u32 s1, $0x2  }
0xbb: {  	s3 =	sand.u32 $0x4000, s31;
	s1 =	sadd.s32 s1, s30  }
0xbc: {  	s0 =	sor.u32 s3, s0;
	s1 =	sshll.u32 s1, $0x11  }
0xbd: {  	s0 =	sor.u32 s1, s0  }
0xbe: {  	s0 =	sadd.s32 $0x8F2B, s0  }
0xbf: {  	[sflag:s0] =	ssyncadd.remote.s32 $0x1  }
0xc0: {  	_ =	sfence.sel $0xFFFF  }
0xc1: {  	[dreg:$0x0] =	wrdreg $0xFFFFFFFF;
	(pc) =	sbr.abs _section_cstart, $3  }
0xc2: {  	[dreg:$0x1] =	wrdreg $0xFFFFFFFF  }
0xc3: {  	_ =	task.clear_ibuf [dreg:s7], $0x2FFFF;
	_ =	strace $0x9FFFFFFF  }
0xc4: {  	(tm) =	ssettm $0x7FFFFFFF  }
0xc5: {  	_ =	shalt  }
tec
execute0_lowered:
.L_overlay_start_1:
0x0: {  	(tag) =	ssettag $0x1  }
0x1: {  	s0 =	rddreg [dreg:$0x0];
	s1 =	srdreg.scid  }
0x2: {  	s12 =	stileid.u32;
	s3 =	rddreg [dreg:$0x2]  }
0x3: {  	s4 =	rddreg [dreg:$0x3];
	s6 =	simm.s32 $0x0;
	s29 =	simm.s32 $0x8  }
0x4: {  	s31 =	simm.s32 $0x80;
	s30 =	simm.s32 $0xFF00;
	s28 =	simm.s32 $0x1  }
0x5: {  	s1 =	sand.u32 $0x1, s1;
	s2 =	sshll.u32 s12, $0x1;
	s9 =	smul.u32 $0x2780, s12  }
0x6: {  	[smem:$0x7FF] =	sst s6;
	s7 =	sadd.s32 $0x1C00, s0;
	s8 =	sadd.s32 $0x272C00, s0  }
0x7: {  	s16 =	sadd.s32 $0x5EC00, s0;
	s18 =	sshll.u32 s12, $0x6;
	s22 =	sadd.s32 $0x59B80, s0  }
0x8: {  	s23 =	sadd.s32 $0x5EA00, s0;
	_ =	strace $0x80000047;
	[dreg:$0x5] =	wrdreg s16  }
0x9: {  	s2 =	sor.u32 s1, s2;
	s10 =	smul.u32 $0x27800, s1;
	[dreg:$0xb] =	wrdreg s22  }
0xa: {  	s1 =	ssub.s32 $0x2, s1;
	[dreg:$0xc] =	wrdreg s23;
	s5 =	smul.u32 $0x1400, s2  }
0xb: {  	s16 =	simm.s32 $0x2;
	s17 =	sshrl.u32 s1, $0x1;
	s15 =	smul.u32 $0x2800, s2  }
0xc: {  	s12 =	sadd.s32 s9, s4;
	p0 =	seq.s32 s2, $0x1F;
	s2 =	simm.s32 $0x3  }
0xd: {  	s10 =	sadd.s32 s9, s10;
	s1 =	ssub.s32 s1, s17;
	s17 =	simm.s32 $0x19F00  }
0xe: {  	s11 =	sshrl.u32 s5, $0x3;
	s10 =	sshrl.u32 s10, $0x3;
	s19 =	sadd.s32 s8, s15  }
0xf: {  	s26 =	smax.u32 s1, $0x1;
	s15 =	simm.s32 $0x4;
	s1 =	simm.s32 $0x1AF00  }
0x10: {  	s13 =	sadd.s32 s11, s0;
	s14 =	sadd.s32 s10, s0;
	[dreg:$0x7] =	wrdreg s19  }
0x11: {  	s10 =	sadd.s32 s9, s3;
	s11 =	sor.u32 $0x1C09, s18;
	[dreg:$0x10] =	wrdreg s26  }
0x12: {  	s9 =	sadd.s32 $0x100, s19;
	s19 =	sadd.s32 $0x2C0400, s0;
	[dreg:$0x6] =	wrdreg s11  }
0x13: {  	s0 =	sadd.s32 $0x2C0500, s0;
	s20 =	sadd.s32 $0x54E00, s13;
	[dreg:$0xa] =	wrdreg s9  }
.Ltmp0:
0x14: {  	s21 =	sadd.s32 $0x59C80, s13;
	[dreg:$0xd] =	wrdreg s0;
	(pc) =	sbr.rel .LBB2_1-.Ltmp0, $4  }
0x15: {  	s24 =	sadd.s32 $0x5EE00, s14;
	s25 =	sadd.s32 $0x68C00, s14;
	[dreg:$0x8] =	wrdreg s20  }
0x16: {  	s0 =	simm.s32 $0x18F00;
	s14 =	simm.s32 $0x19700;
	[dreg:$0x9] =	wrdreg s21  }
0x17: {  	s13 =	simm.s32 $0x7;
	s9 =	simm.s32 $0x0;
	[dreg:$0xe] =	wrdreg s24  }
0x18: {  	[dreg:$0xf] =	wrdreg s25;
	s24 =	simm.s32 $0x9;
	s25 =	simm.s32 $0x1A700  }
.LBB2_19:
0x19: {  	[spmem:s3] =	stream.indirect.scatter.add.f32 [tilespmem:s17], [sflag:$0x6], $0x10, s18, s31, $0xb8;
	[tilespmem:$0x1D680] =	vst v63  }
0x1a: {  	s10 =	simm.s32 $0x6  }
0x1b: {  	[spmem:s4] =	stream.indirect.scatter.add.f32 [tilespmem:s25], [sflag:$0x7], $0x10, s18, s31, $0xb8;
	[tilespmem:$0x1D680] =	vst v63  }
0x1c: {  	_ =	swait.ge [sflag:s10], $0x800  }
0x1d: {  	[sflag:s10] =	ssyncset.done $0x0  }
0x1e: {  	s26 =	simm.s32 $0x5;
	[sflag:s10] =	ssyncadd.s32 $0xFFFFF800  }
0x1f: {  	_ =	swait.ge [sflag:s26], $0x800  }
0x20: {  	[sflag:s26] =	ssyncset.done $0x0  }
0x21: {  	[sflag:s26] =	ssyncadd.s32 $0xFFFFF800  }
0x22: {  	_ =	swait.ge [sflag:s13], $0x800  }
0x23: {  	[sflag:s13] =	ssyncset.done $0x0  }
0x24: {  	[sflag:s13] =	ssyncadd.s32 $0xFFFFF800  }
0x25: {  	_ =	swait.ge [sflag:s13], $0x800  }
0x26: {  	[sflag:s13] =	ssyncset.done $0x0  }
0x27: {  	[sflag:s13] =	ssyncadd.s32 $0xFFFFF800  }
0x28: {  	_ =	swait.ge [sflag:s13], $0x800  }
0x29: {  	[sflag:s13] =	ssyncset.done $0x0  }
0x2a: {  	[sflag:s13] =	ssyncadd.s32 $0xFFFFF800  }
0x2b: {  	_ =	swait.ge [sflag:s13], $0x800  }
0x2c: {  	[sflag:s13] =	ssyncset.done $0x0  }
0x2d: {  	[sflag:s13] =	ssyncadd.s32 $0xFFFFF800  }
0x2e: {  	_ =	swait.ge [sflag:s13], $0x800  }
0x2f: {  	[sflag:s13] =	ssyncset.done $0x0  }
0x30: {  	[sflag:s13] =	ssyncadd.s32 $0xFFFFF800  }
0x31: {  	_ =	swait.ge [sflag:s13], $0x800  }
0x32: {  	[sflag:s13] =	ssyncset.done $0x0  }
0x33: {  	[sflag:s13] =	ssyncadd.s32 $0xFFFFF800  }
0x34: {  	_ =	swait.ge [sflag:s13], $0x800  }
0x35: {  	[sflag:s13] =	ssyncset.done $0x0  }
0x36: {  	[sflag:s13] =	ssyncadd.s32 $0xFFFFF800  }
0x37: {  	_ =	swait.ge [sflag:s13], $0x800  }
0x38: {  	[sflag:s13] =	ssyncset.done $0x0  }
0x39: {  	[sflag:s13] =	ssyncadd.s32 $0xFFFFF800  }
0x3a: {  	_ =	swait.ge [sflag:s13], $0x800  }
0x3b: {  	[sflag:s13] =	ssyncset.done $0x0  }
0x3c: {  	[sflag:s13] =	ssyncadd.s32 $0xFFFFF800  }
0x3d: {  	_ =	swait.ge [sflag:s13], $0x800  }
0x3e: {  	[sflag:s13] =	ssyncset.done $0x0  }
0x3f: {  	s10 =	smov.u32 s11;
	[sflag:s13] =	ssyncadd.s32 $0xFFFFF800  }
.LBB2_20:
0x40: {  	[bflag:$0x0] =	sbarrier.arrive $0xFFFF  }
0x41: {  	[tilespmem:s1], [sflag:$0x9] =	stream.linear.gather [spmem:s10], $0x2780, $0x38;
	[tilespmem:$0x1D680] =	vst v63  }
0x42: {  	_ =	swait.ge [sflag:s24], $0x2780  }
0x43: {  	[sflag:s24] =	ssyncset.done $0x0  }
0x44: {  	s11 =	rddreg [dreg:$0xe];
	[sflag:s24] =	ssyncadd.s32 $0xFFFFD880  }
0x45: {  	[hbm4b:s11+s6] =	stream.linear.scatter [tilespmem:s1], [sflag:$0x9], $0x2780, $0x38;
	[tilespmem:$0x1D680] =	vst v63  }
0x46: {  	_ =	swait.ge [sflag:s24], $0x2780  }
0x47: {  	[sflag:s24] =	ssyncset.done $0x0  }
0x48: {  	[sflag:s24] =	ssyncadd.s32 $0xFFFFD880  }
0x49: {  	[tilespmem:s1], [sflag:$0x9] =	stream.linear.gather [spmem:s12], $0x2780, $0x38;
	[tilespmem:$0x1D680] =	vst v63  }
0x4a: {  	_ =	swait.ge [sflag:s24], $0x2780  }
0x4b: {  	[sflag:s24] =	ssyncset.done $0x0  }
0x4c: {  	s23 =	rddreg [dreg:$0xf];
	[sflag:s24] =	ssyncadd.s32 $0xFFFFD880  }
0x4d: {  	[hbm4b:s23+s6] =	stream.linear.scatter [tilespmem:s1], [sflag:$0x9], $0x2780, $0x38;
	[tilespmem:$0x1D680] =	vst v63  }
0x4e: {  	_ =	swait.ge [sflag:s24], $0x2780  }
0x4f: {  	s9 =	sadd.s32 $0x1, s9;
	s26 =	rddreg [dreg:$0x10]  }
0x50: {  	p1 =	sne.s32 s9, s26  }
.Ltmp1:
0x51: {  	_ = 	snop;
	(pc) =	sbr.rel @!p1 .LBB2_21-.Ltmp1, $3  }
0x52: {  	_ =	sdelay $0x1  }
0x53: {  	[sflag:s24] =	ssyncset.done $0x0  }
0x54: {  	[sflag:s24] =	ssyncadd.s32 $0xFFFFD880  }
.LBB2_1:
0x55: {  	s22 =	rddreg [dreg:$0x1]  }
0x56: {  	s18 =	sshrl.u32 s10, $0x3;
	s20 =	rddreg [dreg:$0x6]  }
0x57: {  	[spmem:s18], [sflag:s20] =	dma.local [hbm:s22], $0x4F0  }
0x58: {  	_ =	swait.ge [sflag:s24], $0x4F0  }
0x59: {  	[sflag:s24] =	ssyncset.done $0x0  }
0x5a: {  	s23 =	sshrl.u32 s12, $0x3;
	[sflag:s24] =	ssyncadd.s32 $0xFFFFFB10  }
0x5b: {  	[spmem:s23], [sflag:s20] =	dma.local [hbm:s22], $0x4F0  }
0x5c: {  	_ =	swait.ge [sflag:s24], $0x4F0  }
0x5d: {  	[sflag:s24] =	ssyncset.done $0x0  }
0x5e: {  	s26 =	rddreg [dreg:$0x5];
	[sflag:s24] =	ssyncadd.s32 $0xFFFFFB10  }
0x5f: {  	[tilespmem:s25], [sflag:$0x9] =	stream.linear.gather [hbm4b:s26+s6], $0x800, $0x38;
	[tilespmem:$0x1D680] =	vst v63  }
.Ltmp2:
0x60: {  	_ =	swait.ge [sflag:s24], $0x800;
	(pc) =	sbr.rel @!p0 .LBB2_2-.Ltmp2, $4  }
0x61: {  	[sflag:s24] =	ssyncset.done $0x0  }
0x62: {  	[sflag:s24] =	ssyncadd.s32 $0xFFFFF800  }
0x63: {  	[bflag:$0x0] =	sbarrier.arrive $0xFFFF  }
0x64: {  	s11 =	smov.u32 s10;
	s26 =	simm.s32 $0x0  }
0x65: {  	s10 =	rddreg [dreg:$0xb];
	s18 =	simm.s32 $0x4F00  }
0x66: {  	[tilespmem:s18], [sflag:$0x8] =	stream.linear.gather [hbm4b:s10+s26], $0x500, $0x38;
	[tilespmem:$0x1D680] =	vst v63  }
0x67: {  	s23 =	rddreg [dreg:$0xc];
	s20 =	simm.s32 $0x6300  }
0x68: {  	[tilespmem:s20], [sflag:$0x8] =	stream.linear.gather [hbm4b:s23+s26], $0x500, $0x38;
	[tilespmem:$0x1D680] =	vst v63  }
0x69: {  	_ =	swait.ge [sflag:s29], $0x500  }
0x6a: {  	[sflag:s29] =	ssyncset.done $0x0  }
0x6b: {  	[sflag:s29] =	ssyncadd.s32 $0xFFFFFB00  }
0x6c: {  	_ =	swait.ge [sflag:s29], $0x500  }
0x6d: {  	[sflag:s29] =	ssyncset.done $0x0  }
0x6e: {  	s20 =	simm.s32 $0x18700;
	[sflag:s29] =	ssyncadd.s32 $0xFFFFFB00  }
0x6f: {  	[tilespmem:s20], [sflag:$0x3] =	stream.linear.gather [hbm4b:s19+s26], $0x800, $0x38;
	[tilespmem:$0x1D680] =	vst v63  }
0x70: {  	s21 =	simm.s32 $0x7700  }
0x71: {  	[tilespmem:s21], [sflag:$0x1] =	stream.indirect.gather [hbm4b:s7+s31], $0x110, s18, s31, $0xb8;
	[tilespmem:$0x1D680] =	vst v63  }
0x72: {  	s22 =	rddreg [dreg:$0xd]  }
0x73: {  	[tilespmem:s0], [sflag:$0x4] =	stream.linear.gather [hbm4b:s22+s26], $0x800, $0x38;
	[tilespmem:$0x1D680] =	vst v63  }
0x74: {  	s23 =	simm.s32 $0x4F80  }
0x75: {  	[tilespmem:s30], [sflag:$0x2] =	stream.indirect.gather [hbm4b:s7+s31], $0x110, s23, s31, $0xb8;
	[tilespmem:$0x1D680] =	vst v63  }
.LBB2_13:
0x76: {  	_ =	swait.ge [sflag:s2], $0x800  }
0x77: {  	[sflag:s2] =	ssyncset.done $0x0  }
0x78: {  	[sflag:s2] =	ssyncadd.s32 $0xFFFFF800  }
0x79: {  	_ =	swait.ge [sflag:s28], $0x8800  }
0x7a: {  	p1 =	seq.s32 s26, $0x0;
	[sflag:s28] =	ssyncset.done $0x0  }
0x7b: {  	s18 =	simm.s32 @!p1 $0x5;
	[sflag:s28] =	ssyncadd.s32 $0xFFFF7800  }
0x7c: {  	_ =	swait.ge @!p1 [sflag:s18], $0x800  }
0x7d: {  	[sflag:s18] =	ssyncset.done @!p1 $0x0  }
0x7e: {  	s22 =	simm.s32 $0x0;
	[sflag:s18] =	ssyncadd.s32 @!p1 $0xFFFFF800  }
0x7f: {  	s23 =	simm.s32 $0x7780;
	v5 =	vld [tilespmem:s22+$0x18700]  }
0x80: {  	v6 =	vld [tilespmem:s23+$0x40]  }
0x81: {  	v7 =	vld [tilespmem:s23+$0x50]  }
0x82: {  	v8 =	vld [tilespmem:s23+$0x0]  }
0x83: {  	v9 =	vld [tilespmem:s23+$0x10]  }
0x84: {  	v2 =	vld [tilespmem:s23+$0x80];
	v12 =	vbroadcast v5, $0xC;
	v13 =	vbroadcast v5, $0xD  }
0x85: {  	v10 =	vld [tilespmem:s23+$0xFFFFFFC0];
	v1 =	vbroadcast v5, $0xE;
	v0 =	vbroadcast v5, $0xF  }
0x86: {  	v14 =	vld [tilespmem:s23+$0xFFFFFF90];
	v15 =	vbroadcast v5, $0x8;
	v16 =	vbroadcast v5, $0x9  }
0x87: {  	s21 =	sshll.u32 s26, $0x1;
	s18 =	simm.s32 $0x40;
	v11 =	vld [tilespmem:s23+$0xFFFFFFD0];
	v4 =	vbroadcast v5, $0xA;
	v3 =	vbroadcast v5, $0xB  }
.LBB2_14:
0x88: {  	p2 =	sne.s32 s18, $0x1FC0;
	v17 =	vbroadcast v5, $0x1;
	v18 =	vld [tilespmem:s23+$0xFFFFFFA0];
	v19 =	vbroadcast v5, $0x2  }
0x89: {  	v20 =	vbroadcast v5, $0x3;
	v21 =	vbroadcast v5, $0x4;
	v22 =	vld [tilespmem:s23+$0xFFFFFFE0]  }
0x8a: {  	v24 =	vbroadcast v5, $0x5;
	v25 =	vbroadcast v5, $0x6;
	v23 =	vld [tilespmem:s23+$0xFFFFFF80]  }
0x8b: {  	v26 =	vbroadcast v5, $0x0;
	v5 =	vbroadcast v5, $0x7;
	v27 =	vld [tilespmem:s23+$0xFFFFFFB0]  }
0x8c: {  	v6 =	vmul.f32 v6, v12;
	v7 =	vmul.f32 v7, v13;
	v28 =	vld [tilespmem:s23+$0xFFFFFFF0]  }
0x8d: {  	v8 =	vmul.f32 v8, v15;
	v9 =	vmul.f32 v9, v16;
	v12 =	vld [tilespmem:s23+$0x20]  }
0x8e: {  	v10 =	vmul.f32 v10, v21;
	v13 =	vmul.f32 v14, v17;
	v14 =	vld [tilespmem:s23+$0x30]  }
0x8f: {  	v11 =	vmul.f32 v11, v24;
	v15 =	vmul.f32 v23, v26;
	v16 =	vld [tilespmem:s23+$0x60]  }
0x90: {  	v17 =	vmul.f32 v18, v19;
	v18 =	vmul.f32 v22, v25;
	v19 =	vld [tilespmem:s23+$0x70]  }
0x91: {  	v2 =	vadd.f32 v15, v2;
	v15 =	vmul.f32 v27, v20;
	v5 =	vmul.f32 v28, v5  }
0x92: {  	v11 =	vadd.f32 v11, v13;
	v13 =	vadd.f32 v18, v17;
	v4 =	vmul.f32 v12, v4  }
0x93: {  	v2 =	vadd.f32 v10, v2;
	v5 =	vadd.f32 v5, v15;
	v3 =	vmul.f32 v14, v3  }
0x94: {  	v9 =	vadd.f32 v9, v11;
	v4 =	vadd.f32 v4, v13;
	v1 =	vmul.f32 v16, v1  }
0x95: {  	v2 =	vadd.f32 v8, v2;
	v3 =	vadd.f32 v3, v5;
	v0 =	vmul.f32 v19, v0  }
0x96: {  	v5 =	vadd.f32 v7, v9;
	v1 =	vadd.f32 v1, v4  }
0x97: {  	v2 =	vadd.f32 v6, v2;
	v0 =	vadd.f32 v0, v3;
	_ =	sdelay $0x1  }
0x98: {  	v2 =	vadd.f32 v5, v2;
	v0 =	vadd.f32 v0, v1;
	_ =	sdelay $0x1  }
0x99: {  	v0 =	vadd.f32 v0, v2  }
0x9a: {  	s20 =	sshra.s32 s18, $0x2  }
0x9b: {  	s23 =	sadd.s32 $0x110, s23;
	v5 =	vld [tilespmem:s20+$0x18700];
	[tilespmem:s22+$0x19700] =	vst v0;
	s22 =	smov.u32 s20  }
0x9c: {  	v6 =	vld [tilespmem:s23+$0x40]  }
0x9d: {  	v7 =	vld [tilespmem:s23+$0x50]  }
0x9e: {  	v8 =	vld [tilespmem:s23+$0x0]  }
.Ltmp3:
0x9f: {  	v9 =	vld [tilespmem:s23+$0x10];
	(pc) =	sbr.rel @p2 .LBB2_14-.Ltmp3, $4  }
0xa0: {  	v2 =	vld [tilespmem:s23+$0x80];
	v12 =	vbroadcast v5, $0xC;
	v13 =	vbroadcast v5, $0xD  }
0xa1: {  	v1 =	vbroadcast v5, $0xE;
	v0 =	vbroadcast v5, $0xF;
	v10 =	vld [tilespmem:s23+$0xFFFFFFC0]  }
0xa2: {  	v15 =	vbroadcast v5, $0x8;
	v16 =	vbroadcast v5, $0x9;
	v14 =	vld [tilespmem:s23+$0xFFFFFF90]  }
0xa3: {  	s18 =	sadd.s32 $0x40, s18;
	v4 =	vbroadcast v5, $0xA;
	v3 =	vbroadcast v5, $0xB;
	v11 =	vld [tilespmem:s23+$0xFFFFFFD0]  }
0xa4: {  	v17 =	vbroadcast v5, $0x1;
	v18 =	vld [tilespmem:s23+$0xFFFFFFA0];
	v19 =	vbroadcast v5, $0x2  }
0xa5: {  	v20 =	vbroadcast v5, $0x3;
	v21 =	vbroadcast v5, $0x4;
	v22 =	vld [tilespmem:s23+$0xFFFFFFE0]  }
0xa6: {  	v23 =	vld [tilespmem:s23+$0xFFFFFF80];
	v24 =	vbroadcast v5, $0x5;
	v25 =	vbroadcast v5, $0x6  }
0xa7: {  	v26 =	vbroadcast v5, $0x0;
	v27 =	vld [tilespmem:s23+$0xFFFFFFB0];
	v5 =	vbroadcast v5, $0x7  }
0xa8: {  	v28 =	vld [tilespmem:s23+$0xFFFFFFF0];
	v6 =	vmul.f32 v6, v12;
	v7 =	vmul.f32 v7, v13  }
0xa9: {  	v8 =	vmul.f32 v8, v15;
	v9 =	vmul.f32 v9, v16;
	v12 =	vld [tilespmem:s23+$0x20]  }
0xaa: {  	v10 =	vmul.f32 v10, v21;
	v13 =	vmul.f32 v14, v17;
	v14 =	vld [tilespmem:s23+$0x30]  }
0xab: {  	v16 =	vld [tilespmem:s23+$0x60];
	v11 =	vmul.f32 v11, v24;
	v15 =	vmul.f32 v23, v26  }
0xac: {  	v17 =	vmul.f32 v18, v19;
	v18 =	vmul.f32 v22, v25;
	v19 =	vld [tilespmem:s23+$0x70]  }
0xad: {  	v5 =	vmul.f32 v28, v5;
	v2 =	vadd.f32 v15, v2;
	v15 =	vmul.f32 v27, v20  }
0xae: {  	v4 =	vmul.f32 v12, v4;
	v11 =	vadd.f32 v11, v13;
	v13 =	vadd.f32 v18, v17  }
0xaf: {  	v3 =	vmul.f32 v14, v3;
	v2 =	vadd.f32 v10, v2;
	v5 =	vadd.f32 v5, v15  }
0xb0: {  	v1 =	vmul.f32 v16, v1;
	v9 =	vadd.f32 v9, v11;
	v4 =	vadd.f32 v4, v13  }
0xb1: {  	v0 =	vmul.f32 v19, v0;
	v2 =	vadd.f32 v8, v2;
	v3 =	vadd.f32 v3, v5  }
0xb2: {  	v5 =	vadd.f32 v7, v9;
	v1 =	vadd.f32 v1, v4  }
0xb3: {  	v2 =	vadd.f32 v6, v2;
	v0 =	vadd.f32 v0, v3;
	_ =	sdelay $0x1  }
0xb4: {  	p2 =	seq.s32 s26, $0x4;
	v2 =	vadd.f32 v5, v2;
	v0 =	vadd.f32 v0, v1  }
0xb5: {  	s18 =	sadd.s32 @!p2 $0x2, s21  }
0xb6: {  	s20 =	sshll.u32 @!p2 s18, $0x8;
	s18 =	sshll.u32 @!p2 s18, $0x7;
	v0 =	vadd.f32 v0, v2  }
0xb7: {  	s20 =	sadd.s32 @!p2 s20, s19;
	s18 =	sand.u32 @!p2 $0x3FFFFF80, s18  }
0xb8: {  	s18 =	sadd.s32 @!p2 $0x4F00, s18;
	s23 =	simm.s32 @!p2 $0x18700;
	[tilespmem:s22+$0x19700] =	vst v0;
	s22 =	simm.s32 @!p2 $0x0  }
0xb9: {  	[tilespmem:s23], [sflag:$0x3] =	stream.linear.gather @!p2 [hbm4b:s20+s22], $0x800, $0x38;
	[tilespmem:$0x1D680] =	vst v63  }
0xba: {  	s20 =	simm.s32 @!p2 $0x80;
	s22 =	simm.s32 @!p2 $0x7700;
	s23 =	sshll.u32 s26, $0x8  }
0xbb: {  	[tilespmem:s22], [sflag:$0x1] =	stream.indirect.gather @!p2 [hbm4b:s7+s20], $0x110, s18, s20, $0xb8;
	[tilespmem:$0x1D680] =	vst v63  }
0xbc: {  	s22 =	sand.u32 $0x3FFFFF00, s23  }
0xbd: {  	s18 =	sadd.s32 $0x6300, s22  }
0xbe: {  	[spmem:s3] =	stream.indirect.scatter.add.f32 [tilespmem:s14], [sflag:$0x5], $0x10, s18, s31, $0xb8;
	[tilespmem:$0x1D680] =	vst v63  }
0xbf: {  	_ = 	snop  }
0xc0: {  	[spmem:s4] =	stream.indirect.scatter.add.f32 [tilespmem:s25], [sflag:$0x7], $0x10, s18, s31, $0xb8;
	[tilespmem:$0x1D680] =	vst v63  }
0xc1: {  	_ =	swait.ge [sflag:s15], $0x800  }
0xc2: {  	[sflag:s15] =	ssyncset.done $0x0  }
0xc3: {  	[sflag:s15] =	ssyncadd.s32 $0xFFFFF800  }
0xc4: {  	_ =	swait.ge [sflag:s16], $0x8800  }
0xc5: {  	[sflag:s16] =	ssyncset.done $0x0  }
0xc6: {  	s18 =	simm.s32 @!p1 $0x6;
	[sflag:s16] =	ssyncadd.s32 $0xFFFF7800  }
0xc7: {  	_ =	swait.ge @!p1 [sflag:s18], $0x800  }
0xc8: {  	[sflag:s18] =	ssyncset.done @!p1 $0x0  }
0xc9: {  	s23 =	simm.s32 $0x0;
	[sflag:s18] =	ssyncadd.s32 @!p1 $0xFFFFF800  }
0xca: {  	s18 =	simm.s32 $0xFF80;
	v5 =	vld [tilespmem:s23+$0x18F00]  }
0xcb: {  	v6 =	vld [tilespmem:s18+$0x40]  }
0xcc: {  	v7 =	vld [tilespmem:s18+$0x50]  }
0xcd: {  	v8 =	vld [tilespmem:s18+$0x0]  }
0xce: {  	v9 =	vld [tilespmem:s18+$0x10]  }
0xcf: {  	v2 =	vld [tilespmem:s18+$0x80];
	v12 =	vbroadcast v5, $0xC;
	v13 =	vbroadcast v5, $0xD  }
0xd0: {  	v10 =	vld [tilespmem:s18+$0xFFFFFFC0];
	v1 =	vbroadcast v5, $0xE;
	v0 =	vbroadcast v5, $0xF  }
0xd1: {  	v14 =	vld [tilespmem:s18+$0xFFFFFF90];
	v15 =	vbroadcast v5, $0x8;
	v16 =	vbroadcast v5, $0x9  }
0xd2: {  	s20 =	simm.s32 $0x40;
	v11 =	vld [tilespmem:s18+$0xFFFFFFD0];
	v4 =	vbroadcast v5, $0xA;
	v3 =	vbroadcast v5, $0xB  }
.LBB2_16:
0xd3: {  	p1 =	sne.s32 s20, $0x1FC0;
	v17 =	vbroadcast v5, $0x1;
	v18 =	vld [tilespmem:s18+$0xFFFFFFA0];
	v19 =	vbroadcast v5, $0x2  }
0xd4: {  	v20 =	vbroadcast v5, $0x3;
	v21 =	vbroadcast v5, $0x4;
	v22 =	vld [tilespmem:s18+$0xFFFFFFE0]  }
0xd5: {  	v24 =	vbroadcast v5, $0x5;
	v25 =	vbroadcast v5, $0x6;
	v23 =	vld [tilespmem:s18+$0xFFFFFF80]  }
0xd6: {  	v26 =	vbroadcast v5, $0x0;
	v5 =	vbroadcast v5, $0x7;
	v27 =	vld [tilespmem:s18+$0xFFFFFFB0]  }
0xd7: {  	v6 =	vmul.f32 v6, v12;
	v7 =	vmul.f32 v7, v13;
	v28 =	vld [tilespmem:s18+$0xFFFFFFF0]  }
0xd8: {  	v8 =	vmul.f32 v8, v15;
	v9 =	vmul.f32 v9, v16;
	v12 =	vld [tilespmem:s18+$0x20]  }
0xd9: {  	v10 =	vmul.f32 v10, v21;
	v13 =	vmul.f32 v14, v17;
	v14 =	vld [tilespmem:s18+$0x30]  }
0xda: {  	v11 =	vmul.f32 v11, v24;
	v15 =	vmul.f32 v23, v26;
	v16 =	vld [tilespmem:s18+$0x60]  }
0xdb: {  	v17 =	vmul.f32 v18, v19;
	v18 =	vmul.f32 v22, v25;
	v19 =	vld [tilespmem:s18+$0x70]  }
0xdc: {  	v2 =	vadd.f32 v15, v2;
	v15 =	vmul.f32 v27, v20;
	v5 =	vmul.f32 v28, v5  }
0xdd: {  	v11 =	vadd.f32 v11, v13;
	v13 =	vadd.f32 v18, v17;
	v4 =	vmul.f32 v12, v4  }
0xde: {  	v2 =	vadd.f32 v10, v2;
	v5 =	vadd.f32 v5, v15;
	v3 =	vmul.f32 v14, v3  }
0xdf: {  	v9 =	vadd.f32 v9, v11;
	v4 =	vadd.f32 v4, v13;
	v1 =	vmul.f32 v16, v1  }
0xe0: {  	v2 =	vadd.f32 v8, v2;
	v3 =	vadd.f32 v3, v5;
	v0 =	vmul.f32 v19, v0  }
0xe1: {  	v5 =	vadd.f32 v7, v9;
	v1 =	vadd.f32 v1, v4  }
0xe2: {  	v2 =	vadd.f32 v6, v2;
	v0 =	vadd.f32 v0, v3;
	_ =	sdelay $0x1  }
0xe3: {  	v2 =	vadd.f32 v5, v2;
	v0 =	vadd.f32 v0, v1;
	_ =	sdelay $0x1  }
0xe4: {  	v0 =	vadd.f32 v0, v2  }
0xe5: {  	s10 =	sshra.s32 s20, $0x2  }
0xe6: {  	s18 =	sadd.s32 $0x110, s18;
	v5 =	vld [tilespmem:s10+$0x18F00];
	[tilespmem:s23+$0x19F00] =	vst v0;
	s23 =	smov.u32 s10  }
0xe7: {  	v6 =	vld [tilespmem:s18+$0x40]  }
0xe8: {  	v7 =	vld [tilespmem:s18+$0x50]  }
0xe9: {  	v8 =	vld [tilespmem:s18+$0x0]  }
.Ltmp4:
0xea: {  	v9 =	vld [tilespmem:s18+$0x10];
	(pc) =	sbr.rel @p1 .LBB2_16-.Ltmp4, $4  }
0xeb: {  	v2 =	vld [tilespmem:s18+$0x80];
	v12 =	vbroadcast v5, $0xC;
	v13 =	vbroadcast v5, $0xD  }
0xec: {  	v1 =	vbroadcast v5, $0xE;
	v0 =	vbroadcast v5, $0xF;
	v10 =	vld [tilespmem:s18+$0xFFFFFFC0]  }
0xed: {  	v15 =	vbroadcast v5, $0x8;
	v16 =	vbroadcast v5, $0x9;
	v14 =	vld [tilespmem:s18+$0xFFFFFF90]  }
0xee: {  	s20 =	sadd.s32 $0x40, s20;
	v4 =	vbroadcast v5, $0xA;
	v3 =	vbroadcast v5, $0xB;
	v11 =	vld [tilespmem:s18+$0xFFFFFFD0]  }
0xef: {  	v17 =	vbroadcast v5, $0x1;
	v18 =	vld [tilespmem:s18+$0xFFFFFFA0];
	v19 =	vbroadcast v5, $0x2  }
0xf0: {  	v20 =	vbroadcast v5, $0x3;
	v21 =	vbroadcast v5, $0x4;
	v22 =	vld [tilespmem:s18+$0xFFFFFFE0]  }
0xf1: {  	v23 =	vld [tilespmem:s18+$0xFFFFFF80];
	v24 =	vbroadcast v5, $0x5;
	v25 =	vbroadcast v5, $0x6  }
0xf2: {  	v26 =	vbroadcast v5, $0x0;
	v27 =	vld [tilespmem:s18+$0xFFFFFFB0];
	v52 =	vbroadcast v5, $0x7  }
0xf3: {  	v28 =	vld [tilespmem:s18+$0xFFFFFFF0];
	v6 =	vmul.f32 v6, v12;
	v7 =	vmul.f32 v7, v13  }
0xf4: {  	v8 =	vmul.f32 v8, v15;
	v9 =	vmul.f32 v9, v16;
	v53 =	vld [tilespmem:s18+$0x20]  }
0xf5: {  	v55 =	vld [tilespmem:s18+$0x30];
	v10 =	vmul.f32 v10, v21;
	v54 =	vmul.f32 v14, v17  }
0xf6: {  	v57 =	vld [tilespmem:s18+$0x60];
	v11 =	vmul.f32 v11, v24;
	v56 =	vmul.f32 v23, v26  }
0xf7: {  	v60 =	vld [tilespmem:s18+$0x70];
	v58 =	vmul.f32 v18, v19;
	v59 =	vmul.f32 v22, v25  }
0xf8: {  	v61 =	vmul.f32 v27, v20;
	v5 =	vmul.f32 v28, v52;
	v2 =	vadd.f32 v56, v2  }
0xf9: {  	v4 =	vmul.f32 v53, v4;
	v11 =	vadd.f32 v11, v54;
	v62 =	vadd.f32 v59, v58  }
0xfa: {  	v3 =	vmul.f32 v55, v3;
	v5 =	vadd.f32 v5, v61;
	v2 =	vadd.f32 v10, v2  }
0xfb: {  	v1 =	vmul.f32 v57, v1;
	v9 =	vadd.f32 v9, v11;
	v4 =	vadd.f32 v4, v62  }
0xfc: {  	v0 =	vmul.f32 v60, v0;
	v3 =	vadd.f32 v3, v5;
	v2 =	vadd.f32 v8, v2  }
0xfd: {  	v63 =	vadd.f32 v7, v9;
	v1 =	vadd.f32 v1, v4  }
0xfe: {  	v0 =	vadd.f32 v0, v3;
	v2 =	vadd.f32 v6, v2;
	_ =	sdelay $0x1  }
.Ltmp5:
0xff: {  	v0 =	vadd.f32 v0, v1;
	v2 =	vadd.f32 v63, v2;
	(pc) =	sbr.rel @p2 .LBB2_19-.Ltmp5, $3  }
0x100: {  	_ = 	snop  }
0x101: {  	v0 =	vadd.f32 v0, v2;
	_ =	sdelay $0x1  }
0x102: {  	s18 =	sadd.s32 $0x6380, s22;
	[tilespmem:s23+$0x19F00] =	vst v0  }
0x103: {  	s10 =	sadd.s32 $0x3, s21  }
0x104: {  	s20 =	sshll.u32 s10, $0x8;
	s10 =	sshll.u32 s10, $0x7  }
0x105: {  	s20 =	sadd.s32 s20, s19;
	s10 =	sand.u32 $0x3FFFFF80, s10  }
0x106: {  	[tilespmem:s0], [sflag:$0x4] =	stream.linear.gather [hbm4b:s20+s6], $0x800, $0x38;
	[tilespmem:$0x1D680] =	vst v63  }
0x107: {  	s10 =	sadd.s32 $0x4F00, s10  }
0x108: {  	[tilespmem:s30], [sflag:$0x2] =	stream.indirect.gather [hbm4b:s7+s31], $0x110, s10, s31, $0xb8;
	[tilespmem:$0x1D680] =	vst v63  }
.Ltmp6:
0x109: {  	_ = 	snop;
	(pc) =	sbr.rel .LBB2_13-.Ltmp6, $4  }
0x10a: {  	_ = 	snop  }
0x10b: {  	[spmem:s3] =	stream.indirect.scatter.add.f32 [tilespmem:s17], [sflag:$0x6], $0x10, s18, s31, $0xb8;
	[tilespmem:$0x1D680] =	vst v63  }
0x10c: {  	s26 =	sadd.s32 $0x1, s26  }
0x10d: {  	[spmem:s4] =	stream.indirect.scatter.add.f32 [tilespmem:s25], [sflag:$0x7], $0x10, s18, s31, $0xb8;
	[tilespmem:$0x1D680] =	vst v63  }
.LBB2_2:
0x10e: {  	s10 =	rddreg [dreg:$0x8];
	s18 =	simm.s32 $0x4F00  }
0x10f: {  	[tilespmem:s18], [sflag:$0x8] =	stream.linear.gather [hbm4b:s10+s26], $0x1400, $0x38;
	[tilespmem:$0x1D680] =	vst v63  }
0x110: {  	s21 =	rddreg [dreg:$0x9];
	s20 =	simm.s32 $0x6300  }
0x111: {  	[tilespmem:s20], [sflag:$0x8] =	stream.linear.gather [hbm4b:s21+s26], $0x1400, $0x38;
	[tilespmem:$0x1D680] =	vst v63  }
0x112: {  	_ =	swait.ge [sflag:s29], $0x1400  }
0x113: {  	[sflag:s29] =	ssyncset.done $0x0  }
0x114: {  	[sflag:s29] =	ssyncadd.s32 $0xFFFFEC00  }
0x115: {  	_ =	swait.ge [sflag:s29], $0x1400  }
0x116: {  	[sflag:s29] =	ssyncset.done $0x0  }
0x117: {  	s23 =	simm.s32 $0x18700;
	s22 =	rddreg [dreg:$0x7];
	[sflag:s29] =	ssyncadd.s32 $0xFFFFEC00  }
0x118: {  	[tilespmem:s23], [sflag:$0x3] =	stream.linear.gather [hbm4b:s22+s26], $0x800, $0x38;
	[tilespmem:$0x1D680] =	vst v63  }
0x119: {  	s21 =	simm.s32 $0x7700  }
0x11a: {  	[tilespmem:s21], [sflag:$0x1] =	stream.indirect.gather [hbm4b:s7+s31], $0x110, s18, s31, $0xb8;
	[tilespmem:$0x1D680] =	vst v63  }
0x11b: {  	s22 =	rddreg [dreg:$0xa]  }
0x11c: {  	[tilespmem:s0], [sflag:$0x4] =	stream.linear.gather [hbm4b:s22+s26], $0x800, $0x38;
	[tilespmem:$0x1D680] =	vst v63  }
0x11d: {  	s10 =	smov.u32 s11;
	s23 =	simm.s32 $0x4F80  }
0x11e: {  	[tilespmem:s30], [sflag:$0x2] =	stream.indirect.gather [hbm4b:s7+s31], $0x110, s23, s31, $0xb8;
	[tilespmem:$0x1D680] =	vst v63  }
.LBB2_3:
0x11f: {  	_ =	swait.ge [sflag:s2], $0x800  }
0x120: {  	[sflag:s2] =	ssyncset.done $0x0  }
0x121: {  	[sflag:s2] =	ssyncadd.s32 $0xFFFFF800  }
0x122: {  	_ =	swait.ge [sflag:s28], $0x8800  }
0x123: {  	p1 =	seq.s32 s26, $0x0;
	[sflag:s28] =	ssyncset.done $0x0  }
0x124: {  	s18 =	simm.s32 @!p1 $0x5;
	[sflag:s28] =	ssyncadd.s32 $0xFFFF7800  }
0x125: {  	_ =	swait.ge @!p1 [sflag:s18], $0x800  }
0x126: {  	[sflag:s18] =	ssyncset.done @!p1 $0x0  }
0x127: {  	s21 =	simm.s32 $0x0;
	[sflag:s18] =	ssyncadd.s32 @!p1 $0xFFFFF800  }
0x128: {  	s23 =	simm.s32 $0x7780;
	v5 =	vld [tilespmem:s21+$0x18700]  }
0x129: {  	v6 =	vld [tilespmem:s23+$0x40]  }
0x12a: {  	v7 =	vld [tilespmem:s23+$0x50]  }
0x12b: {  	v8 =	vld [tilespmem:s23+$0x0]  }
0x12c: {  	v9 =	vld [tilespmem:s23+$0x10]  }
0x12d: {  	v2 =	vld [tilespmem:s23+$0x80];
	v12 =	vbroadcast v5, $0xC;
	v13 =	vbroadcast v5, $0xD  }
0x12e: {  	v10 =	vld [tilespmem:s23+$0xFFFFFFC0];
	v1 =	vbroadcast v5, $0xE;
	v0 =	vbroadcast v5, $0xF  }
0x12f: {  	v14 =	vld [tilespmem:s23+$0xFFFFFF90];
	v15 =	vbroadcast v5, $0x8;
	v16 =	vbroadcast v5, $0x9  }
0x130: {  	s22 =	sshll.u32 s26, $0xA;
	s18 =	simm.s32 $0x40;
	v11 =	vld [tilespmem:s23+$0xFFFFFFD0];
	v4 =	vbroadcast v5, $0xA;
	v3 =	vbroadcast v5, $0xB  }
.LBB2_4:
0x131: {  	p2 =	sne.s32 s18, $0x1FC0;
	v17 =	vbroadcast v5, $0x1;
	v18 =	vld [tilespmem:s23+$0xFFFFFFA0];
	v19 =	vbroadcast v5, $0x2  }
0x132: {  	v20 =	vbroadcast v5, $0x3;
	v21 =	vbroadcast v5, $0x4;
	v22 =	vld [tilespmem:s23+$0xFFFFFFE0]  }
0x133: {  	v24 =	vbroadcast v5, $0x5;
	v25 =	vbroadcast v5, $0x6;
	v23 =	vld [tilespmem:s23+$0xFFFFFF80]  }
0x134: {  	v26 =	vbroadcast v5, $0x0;
	v5 =	vbroadcast v5, $0x7;
	v27 =	vld [tilespmem:s23+$0xFFFFFFB0]  }
0x135: {  	v6 =	vmul.f32 v6, v12;
	v7 =	vmul.f32 v7, v13;
	v28 =	vld [tilespmem:s23+$0xFFFFFFF0]  }
0x136: {  	v8 =	vmul.f32 v8, v15;
	v9 =	vmul.f32 v9, v16;
	v12 =	vld [tilespmem:s23+$0x20]  }
0x137: {  	v10 =	vmul.f32 v10, v21;
	v13 =	vmul.f32 v14, v17;
	v14 =	vld [tilespmem:s23+$0x30]  }
0x138: {  	v11 =	vmul.f32 v11, v24;
	v15 =	vmul.f32 v23, v26;
	v16 =	vld [tilespmem:s23+$0x60]  }
0x139: {  	v17 =	vmul.f32 v18, v19;
	v18 =	vmul.f32 v22, v25;
	v19 =	vld [tilespmem:s23+$0x70]  }
0x13a: {  	v2 =	vadd.f32 v15, v2;
	v15 =	vmul.f32 v27, v20;
	v5 =	vmul.f32 v28, v5  }
0x13b: {  	v11 =	vadd.f32 v11, v13;
	v13 =	vadd.f32 v18, v17;
	v4 =	vmul.f32 v12, v4  }
0x13c: {  	v2 =	vadd.f32 v10, v2;
	v5 =	vadd.f32 v5, v15;
	v3 =	vmul.f32 v14, v3  }
0x13d: {  	v9 =	vadd.f32 v9, v11;
	v4 =	vadd.f32 v4, v13;
	v1 =	vmul.f32 v16, v1  }
0x13e: {  	v2 =	vadd.f32 v8, v2;
	v3 =	vadd.f32 v3, v5;
	v0 =	vmul.f32 v19, v0  }
0x13f: {  	v5 =	vadd.f32 v7, v9;
	v1 =	vadd.f32 v1, v4  }
0x140: {  	v2 =	vadd.f32 v6, v2;
	v0 =	vadd.f32 v0, v3;
	_ =	sdelay $0x1  }
0x141: {  	v2 =	vadd.f32 v5, v2;
	v0 =	vadd.f32 v0, v1;
	_ =	sdelay $0x1  }
0x142: {  	v0 =	vadd.f32 v0, v2  }
0x143: {  	s20 =	sshra.s32 s18, $0x2  }
0x144: {  	s23 =	sadd.s32 $0x110, s23;
	v5 =	vld [tilespmem:s20+$0x18700];
	[tilespmem:s21+$0x19700] =	vst v0;
	s21 =	smov.u32 s20  }
0x145: {  	v6 =	vld [tilespmem:s23+$0x40]  }
0x146: {  	v7 =	vld [tilespmem:s23+$0x50]  }
0x147: {  	v8 =	vld [tilespmem:s23+$0x0]  }
.Ltmp7:
0x148: {  	v9 =	vld [tilespmem:s23+$0x10];
	(pc) =	sbr.rel @p2 .LBB2_4-.Ltmp7, $4  }
0x149: {  	v2 =	vld [tilespmem:s23+$0x80];
	v12 =	vbroadcast v5, $0xC;
	v13 =	vbroadcast v5, $0xD  }
0x14a: {  	v1 =	vbroadcast v5, $0xE;
	v0 =	vbroadcast v5, $0xF;
	v10 =	vld [tilespmem:s23+$0xFFFFFFC0]  }
0x14b: {  	v15 =	vbroadcast v5, $0x8;
	v16 =	vbroadcast v5, $0x9;
	v14 =	vld [tilespmem:s23+$0xFFFFFF90]  }
0x14c: {  	s18 =	sadd.s32 $0x40, s18;
	v4 =	vbroadcast v5, $0xA;
	v3 =	vbroadcast v5, $0xB;
	v11 =	vld [tilespmem:s23+$0xFFFFFFD0]  }
0x14d: {  	v17 =	vbroadcast v5, $0x1;
	v18 =	vld [tilespmem:s23+$0xFFFFFFA0];
	v19 =	vbroadcast v5, $0x2  }
0x14e: {  	v20 =	vbroadcast v5, $0x3;
	v21 =	vbroadcast v5, $0x4;
	v22 =	vld [tilespmem:s23+$0xFFFFFFE0]  }
0x14f: {  	v23 =	vld [tilespmem:s23+$0xFFFFFF80];
	v24 =	vbroadcast v5, $0x5;
	v25 =	vbroadcast v5, $0x6  }
0x150: {  	v26 =	vbroadcast v5, $0x0;
	v27 =	vld [tilespmem:s23+$0xFFFFFFB0];
	v5 =	vbroadcast v5, $0x7  }
0x151: {  	v28 =	vld [tilespmem:s23+$0xFFFFFFF0];
	v6 =	vmul.f32 v6, v12;
	v7 =	vmul.f32 v7, v13  }
0x152: {  	v8 =	vmul.f32 v8, v15;
	v9 =	vmul.f32 v9, v16;
	v12 =	vld [tilespmem:s23+$0x20]  }
0x153: {  	v10 =	vmul.f32 v10, v21;
	v13 =	vmul.f32 v14, v17;
	v14 =	vld [tilespmem:s23+$0x30]  }
0x154: {  	v16 =	vld [tilespmem:s23+$0x60];
	v11 =	vmul.f32 v11, v24;
	v15 =	vmul.f32 v23, v26  }
0x155: {  	v17 =	vmul.f32 v18, v19;
	v18 =	vmul.f32 v22, v25;
	v19 =	vld [tilespmem:s23+$0x70]  }
0x156: {  	v5 =	vmul.f32 v28, v5;
	v2 =	vadd.f32 v15, v2;
	v15 =	vmul.f32 v27, v20  }
0x157: {  	v4 =	vmul.f32 v12, v4;
	v11 =	vadd.f32 v11, v13;
	v13 =	vadd.f32 v18, v17  }
0x158: {  	v3 =	vmul.f32 v14, v3;
	v2 =	vadd.f32 v10, v2;
	v5 =	vadd.f32 v5, v15  }
0x159: {  	v1 =	vmul.f32 v16, v1;
	v9 =	vadd.f32 v9, v11;
	v4 =	vadd.f32 v4, v13  }
0x15a: {  	v0 =	vmul.f32 v19, v0;
	v2 =	vadd.f32 v8, v2;
	v3 =	vadd.f32 v3, v5  }
0x15b: {  	v5 =	vadd.f32 v7, v9;
	v1 =	vadd.f32 v1, v4  }
0x15c: {  	p2 =	seq.s32 s26, $0x13;
	v2 =	vadd.f32 v6, v2;
	v0 =	vadd.f32 v0, v3  }
0x15d: {  	s18 =	sshll.u32 @!p2 s26, $0x8  }
0x15e: {  	s20 =	sadd.s32 @!p2 s5, s18;
	v2 =	vadd.f32 v5, v2;
	v0 =	vadd.f32 v0, v1  }
0x15f: {  	s20 =	sshll.u32 @!p2 s20, $0x1  }
0x160: {  	s20 =	sadd.s32 @!p2 $0x200, s20;
	v0 =	vadd.f32 v0, v2  }
0x161: {  	s20 =	sand.u32 @!p2 $0x1FFFFE00, s20  }
0x162: {  	s23 =	simm.s32 @!p2 $0x18700;
	s20 =	sadd.s32 @!p2 s8, s20;
	[tilespmem:s21+$0x19700] =	vst v0;
	s21 =	simm.s32 @!p2 $0x0  }
0x163: {  	[tilespmem:s23], [sflag:$0x3] =	stream.linear.gather @!p2 [hbm4b:s20+s21], $0x800, $0x38;
	[tilespmem:$0x1D680] =	vst v63  }
0x164: {  	s18 =	sadd.s32 @!p2 $0x5000, s18;
	s20 =	simm.s32 @!p2 $0x80;
	s21 =	simm.s32 @!p2 $0x7700  }
0x165: {  	[tilespmem:s21], [sflag:$0x1] =	stream.indirect.gather @!p2 [hbm4b:s7+s20], $0x110, s18, s20, $0xb8;
	[tilespmem:$0x1D680] =	vst v63  }
0x166: {  	s21 =	sshrl.u32 s22, $0x2  }
0x167: {  	s23 =	sadd.s32 $0x6300, s21  }
0x168: {  	[spmem:s3] =	stream.indirect.scatter.add.f32 [tilespmem:s14], [sflag:$0x5], $0x10, s23, s31, $0xb8;
	[tilespmem:$0x1D680] =	vst v63  }
0x169: {  	_ = 	snop  }
0x16a: {  	[spmem:s4] =	stream.indirect.scatter.add.f32 [tilespmem:s25], [sflag:$0x7], $0x10, s23, s31, $0xb8;
	[tilespmem:$0x1D680] =	vst v63  }
0x16b: {  	_ =	swait.ge [sflag:s15], $0x800  }
0x16c: {  	[sflag:s15] =	ssyncset.done $0x0  }
0x16d: {  	[sflag:s15] =	ssyncadd.s32 $0xFFFFF800  }
0x16e: {  	_ =	swait.ge [sflag:s16], $0x8800  }
0x16f: {  	[sflag:s16] =	ssyncset.done $0x0  }
0x170: {  	s18 =	simm.s32 @!p1 $0x6;
	[sflag:s16] =	ssyncadd.s32 $0xFFFF7800  }
0x171: {  	_ =	swait.ge @!p1 [sflag:s18], $0x800  }
0x172: {  	[sflag:s18] =	ssyncset.done @!p1 $0x0  }
0x173: {  	s22 =	simm.s32 $0x0;
	[sflag:s18] =	ssyncadd.s32 @!p1 $0xFFFFF800  }
0x174: {  	s23 =	simm.s32 $0xFF80;
	v5 =	vld [tilespmem:s22+$0x18F00]  }
0x175: {  	v6 =	vld [tilespmem:s23+$0x40]  }
0x176: {  	v7 =	vld [tilespmem:s23+$0x50]  }
0x177: {  	v8 =	vld [tilespmem:s23+$0x0]  }
0x178: {  	v9 =	vld [tilespmem:s23+$0x10]  }
0x179: {  	v2 =	vld [tilespmem:s23+$0x80];
	v12 =	vbroadcast v5, $0xC;
	v13 =	vbroadcast v5, $0xD  }
0x17a: {  	v10 =	vld [tilespmem:s23+$0xFFFFFFC0];
	v1 =	vbroadcast v5, $0xE;
	v0 =	vbroadcast v5, $0xF  }
0x17b: {  	v14 =	vld [tilespmem:s23+$0xFFFFFF90];
	v15 =	vbroadcast v5, $0x8;
	v16 =	vbroadcast v5, $0x9  }
0x17c: {  	s18 =	simm.s32 $0x40;
	v11 =	vld [tilespmem:s23+$0xFFFFFFD0];
	v4 =	vbroadcast v5, $0xA;
	v3 =	vbroadcast v5, $0xB  }
.LBB2_6:
0x17d: {  	p1 =	sne.s32 s18, $0x1FC0;
	v17 =	vbroadcast v5, $0x1;
	v18 =	vld [tilespmem:s23+$0xFFFFFFA0];
	v19 =	vbroadcast v5, $0x2  }
0x17e: {  	v20 =	vbroadcast v5, $0x3;
	v21 =	vbroadcast v5, $0x4;
	v22 =	vld [tilespmem:s23+$0xFFFFFFE0]  }
0x17f: {  	v24 =	vbroadcast v5, $0x5;
	v25 =	vbroadcast v5, $0x6;
	v23 =	vld [tilespmem:s23+$0xFFFFFF80]  }
0x180: {  	v26 =	vbroadcast v5, $0x0;
	v5 =	vbroadcast v5, $0x7;
	v27 =	vld [tilespmem:s23+$0xFFFFFFB0]  }
0x181: {  	v6 =	vmul.f32 v6, v12;
	v7 =	vmul.f32 v7, v13;
	v28 =	vld [tilespmem:s23+$0xFFFFFFF0]  }
0x182: {  	v8 =	vmul.f32 v8, v15;
	v9 =	vmul.f32 v9, v16;
	v12 =	vld [tilespmem:s23+$0x20]  }
0x183: {  	v10 =	vmul.f32 v10, v21;
	v13 =	vmul.f32 v14, v17;
	v14 =	vld [tilespmem:s23+$0x30]  }
0x184: {  	v11 =	vmul.f32 v11, v24;
	v15 =	vmul.f32 v23, v26;
	v16 =	vld [tilespmem:s23+$0x60]  }
0x185: {  	v17 =	vmul.f32 v18, v19;
	v18 =	vmul.f32 v22, v25;
	v19 =	vld [tilespmem:s23+$0x70]  }
0x186: {  	v2 =	vadd.f32 v15, v2;
	v15 =	vmul.f32 v27, v20;
	v5 =	vmul.f32 v28, v5  }
0x187: {  	v11 =	vadd.f32 v11, v13;
	v13 =	vadd.f32 v18, v17;
	v4 =	vmul.f32 v12, v4  }
0x188: {  	v2 =	vadd.f32 v10, v2;
	v5 =	vadd.f32 v5, v15;
	v3 =	vmul.f32 v14, v3  }
0x189: {  	v9 =	vadd.f32 v9, v11;
	v4 =	vadd.f32 v4, v13;
	v1 =	vmul.f32 v16, v1  }
0x18a: {  	v2 =	vadd.f32 v8, v2;
	v3 =	vadd.f32 v3, v5;
	v0 =	vmul.f32 v19, v0  }
0x18b: {  	v5 =	vadd.f32 v7, v9;
	v1 =	vadd.f32 v1, v4  }
0x18c: {  	v2 =	vadd.f32 v6, v2;
	v0 =	vadd.f32 v0, v3;
	_ =	sdelay $0x1  }
0x18d: {  	v2 =	vadd.f32 v5, v2;
	v0 =	vadd.f32 v0, v1;
	_ =	sdelay $0x1  }
0x18e: {  	v0 =	vadd.f32 v0, v2  }
0x18f: {  	s20 =	sshra.s32 s18, $0x2  }
0x190: {  	s23 =	sadd.s32 $0x110, s23;
	v5 =	vld [tilespmem:s20+$0x18F00];
	[tilespmem:s22+$0x19F00] =	vst v0;
	s22 =	smov.u32 s20  }
0x191: {  	v6 =	vld [tilespmem:s23+$0x40]  }
0x192: {  	v7 =	vld [tilespmem:s23+$0x50]  }
0x193: {  	v8 =	vld [tilespmem:s23+$0x0]  }
.Ltmp8:
0x194: {  	v9 =	vld [tilespmem:s23+$0x10];
	(pc) =	sbr.rel @p1 .LBB2_6-.Ltmp8, $4  }
0x195: {  	v2 =	vld [tilespmem:s23+$0x80];
	v12 =	vbroadcast v5, $0xC;
	v13 =	vbroadcast v5, $0xD  }
0x196: {  	v1 =	vbroadcast v5, $0xE;
	v0 =	vbroadcast v5, $0xF;
	v10 =	vld [tilespmem:s23+$0xFFFFFFC0]  }
0x197: {  	v15 =	vbroadcast v5, $0x8;
	v16 =	vbroadcast v5, $0x9;
	v14 =	vld [tilespmem:s23+$0xFFFFFF90]  }
0x198: {  	s18 =	sadd.s32 $0x40, s18;
	v4 =	vbroadcast v5, $0xA;
	v3 =	vbroadcast v5, $0xB;
	v11 =	vld [tilespmem:s23+$0xFFFFFFD0]  }
0x199: {  	v17 =	vbroadcast v5, $0x1;
	v18 =	vld [tilespmem:s23+$0xFFFFFFA0];
	v19 =	vbroadcast v5, $0x2  }
0x19a: {  	v20 =	vbroadcast v5, $0x3;
	v21 =	vbroadcast v5, $0x4;
	v22 =	vld [tilespmem:s23+$0xFFFFFFE0]  }
0x19b: {  	v23 =	vld [tilespmem:s23+$0xFFFFFF80];
	v24 =	vbroadcast v5, $0x5;
	v25 =	vbroadcast v5, $0x6  }
0x19c: {  	v26 =	vbroadcast v5, $0x0;
	v27 =	vld [tilespmem:s23+$0xFFFFFFB0];
	v52 =	vbroadcast v5, $0x7  }
0x19d: {  	v28 =	vld [tilespmem:s23+$0xFFFFFFF0];
	v6 =	vmul.f32 v6, v12;
	v7 =	vmul.f32 v7, v13  }
0x19e: {  	v8 =	vmul.f32 v8, v15;
	v9 =	vmul.f32 v9, v16;
	v53 =	vld [tilespmem:s23+$0x20]  }
0x19f: {  	v55 =	vld [tilespmem:s23+$0x30];
	v10 =	vmul.f32 v10, v21;
	v54 =	vmul.f32 v14, v17  }
0x1a0: {  	v57 =	vld [tilespmem:s23+$0x60];
	v11 =	vmul.f32 v11, v24;
	v56 =	vmul.f32 v23, v26  }
0x1a1: {  	v60 =	vld [tilespmem:s23+$0x70];
	v58 =	vmul.f32 v18, v19;
	v59 =	vmul.f32 v22, v25  }
0x1a2: {  	v61 =	vmul.f32 v27, v20;
	v5 =	vmul.f32 v28, v52;
	v2 =	vadd.f32 v56, v2  }
0x1a3: {  	v4 =	vmul.f32 v53, v4;
	v11 =	vadd.f32 v11, v54;
	v62 =	vadd.f32 v59, v58  }
0x1a4: {  	v3 =	vmul.f32 v55, v3;
	v5 =	vadd.f32 v5, v61;
	v2 =	vadd.f32 v10, v2  }
0x1a5: {  	v1 =	vmul.f32 v57, v1;
	v9 =	vadd.f32 v9, v11;
	v4 =	vadd.f32 v4, v62  }
0x1a6: {  	v0 =	vmul.f32 v60, v0;
	v3 =	vadd.f32 v3, v5;
	v2 =	vadd.f32 v8, v2  }
0x1a7: {  	v63 =	vadd.f32 v7, v9;
	v1 =	vadd.f32 v1, v4  }
0x1a8: {  	v0 =	vadd.f32 v0, v3;
	v2 =	vadd.f32 v6, v2;
	_ =	sdelay $0x1  }
.Ltmp9:
0x1a9: {  	v0 =	vadd.f32 v0, v1;
	v2 =	vadd.f32 v63, v2;
	(pc) =	sbr.rel @p2 .LBB2_9-.Ltmp9, $3  }
0x1aa: {  	_ = 	snop  }
0x1ab: {  	v0 =	vadd.f32 v0, v2;
	_ =	sdelay $0x1  }
0x1ac: {  	s18 =	sadd.s32 $0x6380, s21;
	[tilespmem:s22+$0x19F00] =	vst v0  }
0x1ad: {  	s20 =	sshll.u32 s26, $0x8  }
0x1ae: {  	s21 =	sadd.s32 s5, s20  }
0x1af: {  	s21 =	sshll.u32 s21, $0x1  }
0x1b0: {  	s21 =	sadd.s32 $0x300, s21  }
0x1b1: {  	s21 =	sand.u32 $0x1FFFFF00, s21  }
0x1b2: {  	s21 =	sadd.s32 s8, s21  }
0x1b3: {  	[tilespmem:s0], [sflag:$0x4] =	stream.linear.gather [hbm4b:s21+s6], $0x800, $0x38;
	[tilespmem:$0x1D680] =	vst v63  }
0x1b4: {  	s20 =	sadd.s32 $0x5080, s20  }
0x1b5: {  	[tilespmem:s30], [sflag:$0x2] =	stream.indirect.gather [hbm4b:s7+s31], $0x110, s20, s31, $0xb8;
	[tilespmem:$0x1D680] =	vst v63  }
.Ltmp10:
0x1b6: {  	_ = 	snop;
	(pc) =	sbr.rel .LBB2_3-.Ltmp10, $4  }
0x1b7: {  	_ = 	snop  }
0x1b8: {  	[spmem:s3] =	stream.indirect.scatter.add.f32 [tilespmem:s17], [sflag:$0x6], $0x10, s18, s31, $0xb8;
	[tilespmem:$0x1D680] =	vst v63  }
0x1b9: {  	s26 =	sadd.s32 $0x1, s26  }
0x1ba: {  	[spmem:s4] =	stream.indirect.scatter.add.f32 [tilespmem:s25], [sflag:$0x7], $0x10, s18, s31, $0xb8;
	[tilespmem:$0x1D680] =	vst v63  }
.LBB2_9:
0x1bb: {  	[spmem:s3] =	stream.indirect.scatter.add.f32 [tilespmem:s17], [sflag:$0x6], $0x10, s18, s31, $0xb8;
	[tilespmem:$0x1D680] =	vst v63  }
0x1bc: {  	s11 =	simm.s32 $0x6  }
0x1bd: {  	[spmem:s4] =	stream.indirect.scatter.add.f32 [tilespmem:s25], [sflag:$0x7], $0x10, s18, s31, $0xb8;
	[tilespmem:$0x1D680] =	vst v63  }
0x1be: {  	_ =	swait.ge [sflag:s11], $0x800  }
0x1bf: {  	[sflag:s11] =	ssyncset.done $0x0  }
0x1c0: {  	s26 =	simm.s32 $0x5;
	[sflag:s11] =	ssyncadd.s32 $0xFFFFF800  }
0x1c1: {  	_ =	swait.ge [sflag:s26], $0x800  }
0x1c2: {  	[sflag:s26] =	ssyncset.done $0x0  }
0x1c3: {  	[sflag:s26] =	ssyncadd.s32 $0xFFFFF800  }
0x1c4: {  	_ =	swait.ge [sflag:s13], $0x800  }
0x1c5: {  	s18 =	simm.s32 $0x27;
	[sflag:s13] =	ssyncset.done $0x0  }
.LBB2_10:
0x1c6: {  	p1 =	seq.s32 s18, $0x1;
	s18 =	sadd.s32 $0xFFFFFFFF, s18;
	[sflag:s13] =	ssyncadd.s32 $0xFFFFF800  }
.Ltmp11:
0x1c7: {  	(pc) =	sbr.rel @!p1 .LBB2_10-.Ltmp11, $3  }
0x1c8: {  	_ =	sdelay $0x1  }
0x1c9: {  	_ =	swait.ge [sflag:s13], $0x800  }
0x1ca: {  	[sflag:s13] =	ssyncset.done $0x0  }
.Ltmp12:
0x1cb: {  	(pc) =	sbr.rel .LBB2_20-.Ltmp12, $2  }
0x1cc: {  	_ =	sdelay $0x2  }
0x1cd: {  	[sflag:s13] =	ssyncadd.s32 $0xFFFFF800  }
.LBB2_21:
0x1ce: {  	_ =	sfence.sel $0x180000  }
0x1cf: {  	[bflag:$0x0] =	sbarrier.arrive $0xFFFF  }
0x1d0: {  	_ =	strace $0x90000047  }
0x1d1: {  	s0 =	stileid.u32;
	[bflag:$0x2] =	sbarrier.arrive $0xFFFF  }
0x1d2: {  	p0 =	sne.s32 s0, $0x0;
	s0 =	rddreg [dreg:$0x4]  }
0x1d3: {  	s0 =	sadd.s32 @!p0 $0x100000, s0  }
0x1d4: {  	[sflag:s0] =	ssyncadd.tile.s32 @!p0 $0x1;
	_ =	shalt  }
.Lfunc_end2:
_tile_overlayer_lowered:
.L_overlay_start_2:
0x1d5: {  	(tag) =	ssettag $0x2  }
0x1d6: {  	s0 =	rddreg [dreg:$0x0];
	s2 =	stileid.u32  }
0x1d7: {  	s1 =	rddreg [dreg:$0x1];
	p0 =	sne.s32 s2, $0x0  }
0x1d8: {  	s3 =	rddreg [dreg:$0x2];
	[bflag:$0x3] =	sbarrier.arrive $0xFFFF;
	s2 =	simm.s32 @!p0 $0x1C09  }
0x1d9: {  	[timem:s3], [sflag:s2] =	dma.local @!p0 [hbm:s0], s1  }
0x1da: {  	s0 =	simm.s32 @!p0 $0x9  }
0x1db: {  	_ =	swait.ge @!p0 [sflag:s0], s1  }
0x1dc: {  	s1 =	ssub.s32 @!p0 $0x0, s1;
	[sflag:s0] =	ssyncset.done @!p0 $0x0  }
0x1dd: {  	[sflag:s0] =	ssyncadd.s32 @!p0 s1  }
0x1de: {  	[bflag:$0x3] =	sbarrier.arrive $0xFFFF  }
0x1df: {  	_ =	shalt  }

</sc_bundles>
